<compile_context>
chip_gen: v7x
topology: tpu7x:2x2x1
jax: 0.10.2.dev20260603
libtpu: 0.0.44.dev20260713+nightly
codegen_flags: <defaults>
</compile_context>

<pallas_src>
import functools

import jax
import jax.numpy as jnp
from jax import lax
from jax.experimental import pallas as pl
from jax.experimental.pallas import tpu as pltpu
from jax.experimental.pallas import tpu_sc as plsc

_B = 128
_C = 100000
_T = 1.3
_QHAT = 0.93
_KREG = 5
_LAMDA = 0.01

_NV = _C // 16
_UNROLL = 10
_NBKT = 1024
_LANE_CAP = 256
_POOL = 16 * _LANE_CAP
_NPV = _POOL // 16
_KEXT = 98
_NPEN = 112
_NW = 32
_RPW = _B // _NW


def _bucket(v):
    bi = lax.bitcast_convert_type(v, jnp.int32)
    key = jnp.where(bi < 0, ~bi, bi ^ jnp.int32(-(2 ** 31)))
    keyu = lax.bitcast_convert_type(key, jnp.uint32)
    return lax.convert_element_type(keyu >> jnp.uint32(22), jnp.int32)


def _row_body(row, logits_hbm, out_hbm, row_v, h16_v, hist_v, pool_v, pen_v):
    lanes = lax.iota(jnp.int32, 16)
    zf = jnp.zeros((16,), jnp.float32)
    zi = jnp.zeros((16,), jnp.int32)
    onei = jnp.ones((16,), jnp.int32)
    ninf = jnp.full((16,), -jnp.inf, jnp.float32)
    pinf = jnp.full((16,), jnp.inf, jnp.float32)
    qv = jnp.full((16,), _QHAT, jnp.float32)

    pltpu.sync_copy(logits_hbm.at[row], row_v)

    @plsc.parallel_loop(0, _NBKT, unroll=8)
    def _zero_h16(i):
        h16_v[pl.ds(i * 16, 16)] = zi

    @plsc.parallel_loop(0, _NV, unroll=_UNROLL)
    def _p1(i):
        v = row_v[pl.ds(i * 16, 16)]
        plsc.addupdate_scatter(h16_v, [lanes * _NBKT + _bucket(v)], onei)

    @plsc.parallel_loop(0, _NBKT // 16, unroll=2)
    def _p3(i):
        acc = zi
        for l in range(16):
            acc = acc + h16_v[pl.ds(l * _NBKT + i * 16, 16)]
        hist_v[pl.ds(i * 16, 16)] = acc

    def _p4(j, carry):
        tot, bstar, found = carry
        h = hist_v[pl.ds(_NBKT - 16 - j * 16, 16)]
        cs = plsc.cumsum(lax.rev(h, (0,))) + tot
        crossed = cs >= _KEXT
        anyc = lax.broadcast(jnp.any(crossed), (16,))
        ffb = zi + plsc.all_reduce_ffs(crossed)
        cand = (_NBKT - 1) - (j * 16 + ffb)
        newly = jnp.logical_and(anyc, found == 0)
        bstar = jnp.where(newly, cand, bstar)
        found = jnp.where(anyc, onei, found)
        tot = lax.broadcast(jnp.max(cs), (16,))
        return tot, bstar, found

    _, bsv, _ = lax.fori_loop(0, _NBKT // 16, _p4, (zi, zi, zi))

    @plsc.parallel_loop(0, _NPV, unroll=8)
    def _p5z(i):
        pool_v[pl.ds(i * 16, 16)] = ninf

    @plsc.parallel_loop(0, _NV, unroll=_UNROLL, carry=(zi, zf))
    def _p5(i, carry):
        cnts, zacc = carry
        v = row_v[pl.ds(i * 16, 16)]
        sel = _bucket(v) >= bsv
        idx = jnp.minimum(cnts, _LANE_CAP - 1) * 16 + lanes
        plsc.store_scatter(pool_v, [idx], v, mask=sel)
        return cnts + jnp.where(sel, 1, 0), zacc + jnp.exp(v / _T)

    cnts, z16 = _p5
    zv = lax.broadcast(jnp.sum(z16), (16,))
    npool = jnp.max(cnts)

    def _pk(k, carry):
        S, cnt, tval, tset, lastv, fi, G = carry
        kv = zi + k

        @plsc.parallel_loop(0, npool, unroll=2, carry=ninf)
        def _fmax(j, a):
            return jnp.maximum(a, pool_v[pl.ds(j * 16, 16)])

        mxv = lax.broadcast(jnp.max(_fmax), (16,))

        def _frm(j, fnd):
            v = pool_v[pl.ds(j * 16, 16)]
            eq = v == mxv
            anyv = lax.broadcast(jnp.any(eq), (16,))
            ffb = zi + plsc.all_reduce_ffs(eq)
            rm = jnp.logical_and(jnp.logical_and(fnd == 0, anyv), lanes == ffb)
            pool_v[pl.ds(j * 16, 16)] = jnp.where(rm, ninf, v)
            return jnp.where(anyv, onei, fnd)

        lax.fori_loop(0, npool, _frm, zi)

        dec = mxv < lastv
        fi = jnp.where(dec, kv, fi)
        lastv = jnp.where(dec, mxv, lastv)

        S = S + jnp.exp(mxv / _T) / zv
        penk = plsc.load_gather(pen_v, [kv])
        notc = jnp.where(S + penk <= qv, 0, 1)
        cnt = cnt + (1 - notc)
        newly = notc * (1 - tset)
        tval = jnp.where(newly == 1, mxv, tval)
        G = jnp.where(newly == 1, fi, G)
        tset = jnp.maximum(tset, notc)
        return S, cnt, tval, tset, lastv, fi, G

    init = (zf, zi, ninf, zi, pinf, zi, zi)
    _, cnt, tval, _, _, _, G = lax.fori_loop(0, _KEXT, _pk, init)
    needv = cnt + 1 - G

    one_f = jnp.full((16,), 1.0, jnp.float32)
    two_f = jnp.full((16,), 2.0, jnp.float32)

    @plsc.parallel_loop(0, _NV, unroll=_UNROLL, carry=zi)
    def _pm(i, eqacc):
        sl = pl.ds(i * 16, 16)
        v = row_v[sl]
        gt = v > tval
        eq = v == tval
        row_v[sl] = jnp.where(gt, one_f, jnp.where(eq, two_f, zf))
        return eqacc + jnp.where(eq, 1, 0)

    ties_total = jnp.sum(_pm)

    @pl.when(ties_total > jnp.max(needv))
    def _fixup():
        def _pf(i, tb):
            v = row_v[pl.ds(i * 16, 16)]
            eq = v == two_f
            eqi = jnp.where(eq, 1, 0)
            pc = plsc.cumsum(eqi)
            rank = tb + pc - eqi
            keep = jnp.where(rank < needv, one_f, zf)
            row_v[pl.ds(i * 16, 16)] = jnp.where(eq, keep, v)
            return tb + lax.broadcast(jnp.max(pc), (16,))

        lax.fori_loop(0, _NV, _pf, zi)

    pltpu.sync_copy(row_v, out_hbm.at[row])


def _make_sc_kernel():
    mesh = plsc.VectorSubcoreMesh(core_axis_name="c", subcore_axis_name="s")

    @functools.partial(
        pl.kernel,
        mesh=mesh,
        out_type=jax.ShapeDtypeStruct((_B, _C), jnp.float32),
        compiler_params=pltpu.CompilerParams(needs_layout_passes=False),
        scratch_types=[
            pltpu.VMEM((_C,), jnp.float32),
            pltpu.VMEM((16 * _NBKT,), jnp.int32),
            pltpu.VMEM((_NBKT,), jnp.int32),
            pltpu.VMEM((_POOL,), jnp.float32),
            pltpu.VMEM((_NPEN,), jnp.float32),
        ],
    )
    def k(logits_hbm, pen_hbm, out_hbm, row_v, h16_v, hist_v, pool_v, pen_v):
        wid = lax.axis_index("s") * 2 + lax.axis_index("c")
        pltpu.sync_copy(pen_hbm, pen_v)

        def _rows(r, c):
            _row_body(wid * _RPW + r, logits_hbm, out_hbm,
                      row_v, h16_v, hist_v, pool_v, pen_v)
            return c

        lax.fori_loop(0, _RPW, _rows, 0)

    return k


def kernel(logits):
    pen_full = jnp.zeros((1, _C), dtype=jnp.float32).at[:, _KREG:].add(_LAMDA)
    pen_cum = jnp.cumsum(pen_full, axis=1)[0, :_NPEN]
    mask_f = _make_sc_kernel()(logits, pen_cum)
    return (logits, mask_f.astype(bool))

# --- scband reference (transcript-rebuilt; emitter-appended) ---
"""Pipeline reference for scband-conformal-model-logits-25159918420493 (READ-ONLY COPY).

The authoritative reference and input builder live on the scoring server;
editing this copy changes nothing except your own understanding.
"""

import jax, jax.numpy as jnp
import numpy as np

B = 128
C = 100000
T_TEMP = 1.3
QHAT = 0.93
KREG = 5
LAMDA = 0.01

def setup_inputs(seed: int = 0) -> dict:
    key = jax.random.key(seed)
    logits = jax.random.normal(key, (B, C), dtype=jnp.float32)
    return {"logits": logits}

def reference(logits):
    # forward of ConformalModelLogits with randomized=False (deterministic path).
    # T and Qhat are calibration-time constants; penalties built per __init__.
    n, c = logits.shape
    penalties = jnp.zeros((1, c), dtype=jnp.float32).at[:, KREG:].add(LAMDA)
    scores = jax.nn.softmax(logits / T_TEMP, axis=1)
    # sort_sum: descending sort + argsort + cumsum
    neg = -scores
    ordered = -jnp.sort(neg, axis=1)
    I = jnp.argsort(neg, axis=1)
    cumsum = jnp.cumsum(ordered, axis=1)
    # gcq, randomized=False branch
    penalties_cumsum = jnp.cumsum(penalties, axis=1)
    sizes_base = jnp.sum((cumsum + penalties_cumsum <= QHAT).astype(jnp.int32), axis=1) + 1
    sizes = jnp.minimum(sizes_base, c)
    # tau == 1.0 special case (Qhat is a constant here)
    if QHAT == 1.0:
        sizes = jnp.full_like(sizes, c)
    # The original returns ragged python lists S[i] = I[i, :sizes[i]].
    # Dense equivalent: boolean membership mask over original class ids.
    ranks = jnp.arange(c, dtype=jnp.int32)[None, :]
    in_set_sorted = ranks < sizes[:, None]
    rows = jnp.arange(n, dtype=jnp.int32)[:, None]
    mask = jnp.zeros((n, c), dtype=bool).at[rows, I].set(in_set_sorted)
    return (logits, mask)

if __name__ == "__main__":
    import jax
    _d = setup_inputs()
    print(jax.jit(kernel)(*tuple(_d.values())))

</pallas_src>

<mosaic_0001>
#map = affine_map<(d0, d1) -> (0, 0)>
#map1 = affine_map<(d0, d1) -> (0)>
module attributes {stable_mosaic.version = 14 : i64} {
  func.func @k(%arg0: i32, %arg1: i32, %arg2: memref<128x100000xf32, #tpu.memory_space<hbm>>, %arg3: memref<112xf32, #tpu.memory_space<hbm>>, %arg4: memref<128x100000xf32, #tpu.memory_space<hbm>>, %arg5: memref<100000xf32, #tpu.memory_space<vmem>>, %arg6: memref<16384xi32, #tpu.memory_space<vmem>>, %arg7: memref<1024xi32, #tpu.memory_space<vmem>>, %arg8: memref<4096xf32, #tpu.memory_space<vmem>>, %arg9: memref<112xf32, #tpu.memory_space<vmem>>) attributes {dimension_semantics = [#tpu.dimension_semantics<core_parallel>, #tpu.dimension_semantics<subcore_parallel>], iteration_bounds = array<i64: 2, 16>, scalar_prefetch = 0 : i64, scratch_operands = 5 : i64, tpu.core_type = #tpu.core_type<sc_vector_subcore>, window_params = [{transform_indices = #map}, {transform_indices = #map1}, {transform_indices = #map}]} {
    %mul3A = arith.constant 2 : i32
    %mul3A_0 = arith.muli %arg1, %mul3A : i32
    %add3A = arith.addi %mul3A_0, %arg0 : i32
    "tpu.region"() ({
      %run_scoped3A = tpu.sem_alloc : memref<!tpu.dma_semaphore, #tpu.memory_space<semaphore_mem>>
      tpu.enqueue_dma source(%arg3 : memref<112xf32, #tpu.memory_space<hbm>>) target(%arg9 : memref<112xf32, #tpu.memory_space<vmem>>) target_semaphore(%run_scoped3A : memref<!tpu.dma_semaphore, #tpu.memory_space<semaphore_mem>>)
      tpu.wait_dma2 semaphore(%run_scoped3A : memref<!tpu.dma_semaphore, #tpu.memory_space<semaphore_mem>>) src(%arg3 : memref<112xf32, #tpu.memory_space<hbm>>) dst(%arg9 : memref<112xf32, #tpu.memory_space<vmem>>)
      tpu.yield
    }) : () -> ()
    %scan3A = arith.constant 0 : i32
    %scan3A_1 = arith.constant 0 : i32
    %scan3A_2 = arith.constant 4 : i32
    %scan3A_3 = arith.addi %scan3A_1, %scan3A_2 : i32
    %scan3A_4 = arith.constant 1 : i32
    scf.for %scan3A_6 = %scan3A_1 to %scan3A_3 step %scan3A_4  : i32 {
      %mul3A_7 = arith.constant 4 : i32
      %mul3A_8 = arith.muli %add3A, %mul3A_7 : i32
      %add3A_9 = arith.addi %mul3A_8, %scan3A_6 : i32
      %iota3A = tpu.iota {dimensions = array<i32: 0>} : vector<16xi32>
      %broadcast_in_dim3A = arith.constant 0.000000e+00 : f32
      %broadcast_in_dim3A_10 = vector.broadcast %broadcast_in_dim3A : f32 to vector<16xf32>
      %broadcast_in_dim3A_11 = arith.constant 0 : i32
      %broadcast_in_dim3A_12 = vector.broadcast %broadcast_in_dim3A_11 : i32 to vector<16xi32>
      %broadcast_in_dim3A_13 = arith.constant 1 : i32
      %broadcast_in_dim3A_14 = vector.broadcast %broadcast_in_dim3A_13 : i32 to vector<16xi32>
      %broadcast_in_dim3A_15 = arith.constant 0xFF800000 : f32
      %broadcast_in_dim3A_16 = vector.broadcast %broadcast_in_dim3A_15 : f32 to vector<16xf32>
      %broadcast_in_dim3A_17 = arith.constant 0x7F800000 : f32
      %broadcast_in_dim3A_18 = vector.broadcast %broadcast_in_dim3A_17 : f32 to vector<16xf32>
      %broadcast_in_dim3A_19 = arith.constant 9.300000e-01 : f32
      %broadcast_in_dim3A_20 = vector.broadcast %broadcast_in_dim3A_19 : f32 to vector<16xf32>
      "tpu.region"() ({
        %run_scoped3A = tpu.sem_alloc : memref<!tpu.dma_semaphore, #tpu.memory_space<semaphore_mem>>
        %dma_start3A = arith.constant 0 : i32
        %dma_start3A_83 = tpu.memref_slice %arg2[%add3A_9, %dma_start3A] : memref<128x100000xf32, #tpu.memory_space<hbm>> -> memref<1x100000xf32, #tpu.memory_space<hbm>>
        %dma_start3A_84 = tpu.memref_squeeze %dma_start3A_83 : memref<1x100000xf32, #tpu.memory_space<hbm>> -> memref<100000xf32, #tpu.memory_space<hbm>>
        %dma_start3A_85 = arith.constant 0 : i32
        %dma_start3A_86 = tpu.memref_slice %arg2[%add3A_9, %dma_start3A_85] : memref<128x100000xf32, #tpu.memory_space<hbm>> -> memref<1x100000xf32, #tpu.memory_space<hbm>>
        %dma_start3A_87 = tpu.memref_squeeze %dma_start3A_86 : memref<1x100000xf32, #tpu.memory_space<hbm>> -> memref<100000xf32, #tpu.memory_space<hbm>>
        tpu.enqueue_dma source(%dma_start3A_87 : memref<100000xf32, #tpu.memory_space<hbm>>) target(%arg5 : memref<100000xf32, #tpu.memory_space<vmem>>) target_semaphore(%run_scoped3A : memref<!tpu.dma_semaphore, #tpu.memory_space<semaphore_mem>>)
        %dma_wait3A = arith.constant 0 : i32
        %dma_wait3A_88 = tpu.memref_slice %arg2[%add3A_9, %dma_wait3A] : memref<128x100000xf32, #tpu.memory_space<hbm>> -> memref<1x100000xf32, #tpu.memory_space<hbm>>
        %dma_wait3A_89 = tpu.memref_squeeze %dma_wait3A_88 : memref<1x100000xf32, #tpu.memory_space<hbm>> -> memref<100000xf32, #tpu.memory_space<hbm>>
        %dma_wait3A_90 = arith.constant 0 : i32
        %dma_wait3A_91 = tpu.memref_slice %arg2[%add3A_9, %dma_wait3A_90] : memref<128x100000xf32, #tpu.memory_space<hbm>> -> memref<1x100000xf32, #tpu.memory_space<hbm>>
        %dma_wait3A_92 = tpu.memref_squeeze %dma_wait3A_91 : memref<1x100000xf32, #tpu.memory_space<hbm>> -> memref<100000xf32, #tpu.memory_space<hbm>>
        tpu.wait_dma2 semaphore(%run_scoped3A : memref<!tpu.dma_semaphore, #tpu.memory_space<semaphore_mem>>) src(%dma_wait3A_92 : memref<100000xf32, #tpu.memory_space<hbm>>) dst(%arg5 : memref<100000xf32, #tpu.memory_space<vmem>>)
        tpu.yield
      }) : () -> ()
      %parallel_loop3A = arith.constant 0 : i32
      %parallel_loop3A_21 = arith.constant 1024 : i32
      %parallel_loop3A_22 = arith.constant 1 : i32
      scf.for %parallel_loop3A_83 = %parallel_loop3A to %parallel_loop3A_21 step %parallel_loop3A_22  : i32 {
        %parallel_loop3A_84 = arith.constant 16 : i32
        %parallel_loop3A_85 = arith.muli %parallel_loop3A_83, %parallel_loop3A_84 : i32
        %parallel_loop3A_86 = arith.index_cast %parallel_loop3A_85 : i32 to index
        %parallel_loop3A_87 = tpu.vector_load %arg6[%parallel_loop3A_86] {strides = array<i32>} : memref<16384xi32, #tpu.memory_space<vmem>>, vector<16xi32>,
        tpu.vector_store %arg6[%parallel_loop3A_86], %broadcast_in_dim3A_12 {strides = array<i32>} : memref<16384xi32, #tpu.memory_space<vmem>>, vector<16xi32>,
      } {sc.loop_unroll_factor = 8 : i64, sc.parallel_access}
      %parallel_loop3A_23 = arith.constant 0 : i32
      %parallel_loop3A_24 = arith.constant 6250 : i32
      %parallel_loop3A_25 = arith.constant 1 : i32
      scf.for %parallel_loop3A_83 = %parallel_loop3A_23 to %parallel_loop3A_24 step %parallel_loop3A_25  : i32 {
        %parallel_loop3A_84 = arith.constant 16 : i32
        %parallel_loop3A_85 = arith.muli %parallel_loop3A_83, %parallel_loop3A_84 : i32
        %parallel_loop3A_86 = arith.index_cast %parallel_loop3A_85 : i32 to index
        %parallel_loop3A_87 = tpu.vector_load %arg5[%parallel_loop3A_86] {strides = array<i32>} : memref<100000xf32, #tpu.memory_space<vmem>>, vector<16xf32>,
        %parallel_loop3A_88 = arith.constant 1024 : i32
        %parallel_loop3A_89 = vector.broadcast %parallel_loop3A_88 : i32 to vector<16xi32>
        %parallel_loop3A_90 = arith.muli %iota3A, %parallel_loop3A_89 : vector<16xi32>
        %parallel_loop3A_91 = tpu.bitcast %parallel_loop3A_87 : vector<16xf32> -> vector<16xi32>
        %parallel_loop3A_92 = arith.constant 0 : i32
        %parallel_loop3A_93 = vector.broadcast %parallel_loop3A_92 : i32 to vector<16xi32>
        %parallel_loop3A_94 = arith.cmpi slt, %parallel_loop3A_91, %parallel_loop3A_93 : vector<16xi32>
        %parallel_loop3A_95 = arith.constant dense<-1> : vector<16xi32>
        %parallel_loop3A_96 = arith.xori %parallel_loop3A_91, %parallel_loop3A_95 : vector<16xi32>
        %parallel_loop3A_97 = arith.constant -2147483648 : i32
        %parallel_loop3A_98 = vector.broadcast %parallel_loop3A_97 : i32 to vector<16xi32>
        %parallel_loop3A_99 = arith.xori %parallel_loop3A_91, %parallel_loop3A_98 : vector<16xi32>
        %parallel_loop3A_100 = arith.select %parallel_loop3A_94, %parallel_loop3A_96, %parallel_loop3A_99 : vector<16xi1>, vector<16xi32>
        %parallel_loop3A_101 = tpu.bitcast %parallel_loop3A_100 : vector<16xi32> -> vector<16xi32>
        %parallel_loop3A_102 = arith.constant 22 : i32
        %parallel_loop3A_103 = vector.broadcast %parallel_loop3A_102 : i32 to vector<16xi32>
        %parallel_loop3A_104 = arith.shrui %parallel_loop3A_101, %parallel_loop3A_103 : vector<16xi32>
        %parallel_loop3A_105 = arith.addi %parallel_loop3A_90, %parallel_loop3A_104 : vector<16xi32>
        tpu.vector_store_idx %arg6[%parallel_loop3A_105], %broadcast_in_dim3A_14 {add = true} : memref<16384xi32, #tpu.memory_space<vmem>>[vector<16xi32>], vector<16xi32>,
      } {sc.loop_unroll_factor = 10 : i64, sc.parallel_access}
      %parallel_loop3A_26 = arith.constant 0 : i32
      %parallel_loop3A_27 = arith.constant 64 : i32
      %parallel_loop3A_28 = arith.constant 1 : i32
      scf.for %parallel_loop3A_83 = %parallel_loop3A_26 to %parallel_loop3A_27 step %parallel_loop3A_28  : i32 {
        %parallel_loop3A_84 = arith.constant 16 : i32
        %parallel_loop3A_85 = arith.muli %parallel_loop3A_83, %parallel_loop3A_84 : i32
        %parallel_loop3A_86 = arith.constant 0 : i32
        %parallel_loop3A_87 = arith.addi %parallel_loop3A_86, %parallel_loop3A_85 : i32
        %parallel_loop3A_88 = arith.index_cast %parallel_loop3A_87 : i32 to index
        %parallel_loop3A_89 = tpu.vector_load %arg6[%parallel_loop3A_88] {strides = array<i32>} : memref<16384xi32, #tpu.memory_space<vmem>>, vector<16xi32>,
        %parallel_loop3A_90 = arith.addi %broadcast_in_dim3A_12, %parallel_loop3A_89 : vector<16xi32>
        %parallel_loop3A_91 = arith.constant 16 : i32
        %parallel_loop3A_92 = arith.muli %parallel_loop3A_83, %parallel_loop3A_91 : i32
        %parallel_loop3A_93 = arith.constant 1024 : i32
        %parallel_loop3A_94 = arith.addi %parallel_loop3A_93, %parallel_loop3A_92 : i32
        %parallel_loop3A_95 = arith.index_cast %parallel_loop3A_94 : i32 to index
        %parallel_loop3A_96 = tpu.vector_load %arg6[%parallel_loop3A_95] {strides = array<i32>} : memref<16384xi32, #tpu.memory_space<vmem>>, vector<16xi32>,
        %parallel_loop3A_97 = arith.addi %parallel_loop3A_90, %parallel_loop3A_96 : vector<16xi32>
        %parallel_loop3A_98 = arith.constant 16 : i32
        %parallel_loop3A_99 = arith.muli %parallel_loop3A_83, %parallel_loop3A_98 : i32
        %parallel_loop3A_100 = arith.constant 2048 : i32
        %parallel_loop3A_101 = arith.addi %parallel_loop3A_100, %parallel_loop3A_99 : i32
        %parallel_loop3A_102 = arith.index_cast %parallel_loop3A_101 : i32 to index
        %parallel_loop3A_103 = tpu.vector_load %arg6[%parallel_loop3A_102] {strides = array<i32>} : memref<16384xi32, #tpu.memory_space<vmem>>, vector<16xi32>,
        %parallel_loop3A_104 = arith.addi %parallel_loop3A_97, %parallel_loop3A_103 : vector<16xi32>
        %parallel_loop3A_105 = arith.constant 16 : i32
        %parallel_loop3A_106 = arith.muli %parallel_loop3A_83, %parallel_loop3A_105 : i32
        %parallel_loop3A_107 = arith.constant 3072 : i32
        %parallel_loop3A_108 = arith.addi %parallel_loop3A_107, %parallel_loop3A_106 : i32
        %parallel_loop3A_109 = arith.index_cast %parallel_loop3A_108 : i32 to index
        %parallel_loop3A_110 = tpu.vector_load %arg6[%parallel_loop3A_109] {strides = array<i32>} : memref<16384xi32, #tpu.memory_space<vmem>>, vector<16xi32>,
        %parallel_loop3A_111 = arith.addi %parallel_loop3A_104, %parallel_loop3A_110 : vector<16xi32>
        %parallel_loop3A_112 = arith.constant 16 : i32
        %parallel_loop3A_113 = arith.muli %parallel_loop3A_83, %parallel_loop3A_112 : i32
        %parallel_loop3A_114 = arith.constant 4096 : i32
        %parallel_loop3A_115 = arith.addi %parallel_loop3A_114, %parallel_loop3A_113 : i32
        %parallel_loop3A_116 = arith.index_cast %parallel_loop3A_115 : i32 to index
        %parallel_loop3A_117 = tpu.vector_load %arg6[%parallel_loop3A_116] {strides = array<i32>} : memref<16384xi32, #tpu.memory_space<vmem>>, vector<16xi32>,
        %parallel_loop3A_118 = arith.addi %parallel_loop3A_111, %parallel_loop3A_117 : vector<16xi32>
        %parallel_loop3A_119 = arith.constant 16 : i32
        %parallel_loop3A_120 = arith.muli %parallel_loop3A_83, %parallel_loop3A_119 : i32
        %parallel_loop3A_121 = arith.constant 5120 : i32
        %parallel_loop3A_122 = arith.addi %parallel_loop3A_121, %parallel_loop3A_120 : i32
        %parallel_loop3A_123 = arith.index_cast %parallel_loop3A_122 : i32 to index
        %parallel_loop3A_124 = tpu.vector_load %arg6[%parallel_loop3A_123] {strides = array<i32>} : memref<16384xi32, #tpu.memory_space<vmem>>, vector<16xi32>,
        %parallel_loop3A_125 = arith.addi %parallel_loop3A_118, %parallel_loop3A_124 : vector<16xi32>
        %parallel_loop3A_126 = arith.constant 16 : i32
        %parallel_loop3A_127 = arith.muli %parallel_loop3A_83, %parallel_loop3A_126 : i32
        %parallel_loop3A_128 = arith.constant 6144 : i32
        %parallel_loop3A_129 = arith.addi %parallel_loop3A_128, %parallel_loop3A_127 : i32
        %parallel_loop3A_130 = arith.index_cast %parallel_loop3A_129 : i32 to index
        %parallel_loop3A_131 = tpu.vector_load %arg6[%parallel_loop3A_130] {strides = array<i32>} : memref<16384xi32, #tpu.memory_space<vmem>>, vector<16xi32>,
        %parallel_loop3A_132 = arith.addi %parallel_loop3A_125, %parallel_loop3A_131 : vector<16xi32>
        %parallel_loop3A_133 = arith.constant 16 : i32
        %parallel_loop3A_134 = arith.muli %parallel_loop3A_83, %parallel_loop3A_133 : i32
        %parallel_loop3A_135 = arith.constant 7168 : i32
        %parallel_loop3A_136 = arith.addi %parallel_loop3A_135, %parallel_loop3A_134 : i32
        %parallel_loop3A_137 = arith.index_cast %parallel_loop3A_136 : i32 to index
        %parallel_loop3A_138 = tpu.vector_load %arg6[%parallel_loop3A_137] {strides = array<i32>} : memref<16384xi32, #tpu.memory_space<vmem>>, vector<16xi32>,
        %parallel_loop3A_139 = arith.addi %parallel_loop3A_132, %parallel_loop3A_138 : vector<16xi32>
        %parallel_loop3A_140 = arith.constant 16 : i32
        %parallel_loop3A_141 = arith.muli %parallel_loop3A_83, %parallel_loop3A_140 : i32
        %parallel_loop3A_142 = arith.constant 8192 : i32
        %parallel_loop3A_143 = arith.addi %parallel_loop3A_142, %parallel_loop3A_141 : i32
        %parallel_loop3A_144 = arith.index_cast %parallel_loop3A_143 : i32 to index
        %parallel_loop3A_145 = tpu.vector_load %arg6[%parallel_loop3A_144] {strides = array<i32>} : memref<16384xi32, #tpu.memory_space<vmem>>, vector<16xi32>,
        %parallel_loop3A_146 = arith.addi %parallel_loop3A_139, %parallel_loop3A_145 : vector<16xi32>
        %parallel_loop3A_147 = arith.constant 16 : i32
        %parallel_loop3A_148 = arith.muli %parallel_loop3A_83, %parallel_loop3A_147 : i32
        %parallel_loop3A_149 = arith.constant 9216 : i32
        %parallel_loop3A_150 = arith.addi %parallel_loop3A_149, %parallel_loop3A_148 : i32
        %parallel_loop3A_151 = arith.index_cast %parallel_loop3A_150 : i32 to index
        %parallel_loop3A_152 = tpu.vector_load %arg6[%parallel_loop3A_151] {strides = array<i32>} : memref<16384xi32, #tpu.memory_space<vmem>>, vector<16xi32>,
        %parallel_loop3A_153 = arith.addi %parallel_loop3A_146, %parallel_loop3A_152 : vector<16xi32>
        %parallel_loop3A_154 = arith.constant 16 : i32
        %parallel_loop3A_155 = arith.muli %parallel_loop3A_83, %parallel_loop3A_154 : i32
        %parallel_loop3A_156 = arith.constant 10240 : i32
        %parallel_loop3A_157 = arith.addi %parallel_loop3A_156, %parallel_loop3A_155 : i32
        %parallel_loop3A_158 = arith.index_cast %parallel_loop3A_157 : i32 to index
        %parallel_loop3A_159 = tpu.vector_load %arg6[%parallel_loop3A_158] {strides = array<i32>} : memref<16384xi32, #tpu.memory_space<vmem>>, vector<16xi32>,
        %parallel_loop3A_160 = arith.addi %parallel_loop3A_153, %parallel_loop3A_159 : vector<16xi32>
        %parallel_loop3A_161 = arith.constant 16 : i32
        %parallel_loop3A_162 = arith.muli %parallel_loop3A_83, %parallel_loop3A_161 : i32
        %parallel_loop3A_163 = arith.constant 11264 : i32
        %parallel_loop3A_164 = arith.addi %parallel_loop3A_163, %parallel_loop3A_162 : i32
        %parallel_loop3A_165 = arith.index_cast %parallel_loop3A_164 : i32 to index
        %parallel_loop3A_166 = tpu.vector_load %arg6[%parallel_loop3A_165] {strides = array<i32>} : memref<16384xi32, #tpu.memory_space<vmem>>, vector<16xi32>,
        %parallel_loop3A_167 = arith.addi %parallel_loop3A_160, %parallel_loop3A_166 : vector<16xi32>
        %parallel_loop3A_168 = arith.constant 16 : i32
        %parallel_loop3A_169 = arith.muli %parallel_loop3A_83, %parallel_loop3A_168 : i32
        %parallel_loop3A_170 = arith.constant 12288 : i32
        %parallel_loop3A_171 = arith.addi %parallel_loop3A_170, %parallel_loop3A_169 : i32
        %parallel_loop3A_172 = arith.index_cast %parallel_loop3A_171 : i32 to index
        %parallel_loop3A_173 = tpu.vector_load %arg6[%parallel_loop3A_172] {strides = array<i32>} : memref<16384xi32, #tpu.memory_space<vmem>>, vector<16xi32>,
        %parallel_loop3A_174 = arith.addi %parallel_loop3A_167, %parallel_loop3A_173 : vector<16xi32>
        %parallel_loop3A_175 = arith.constant 16 : i32
        %parallel_loop3A_176 = arith.muli %parallel_loop3A_83, %parallel_loop3A_175 : i32
        %parallel_loop3A_177 = arith.constant 13312 : i32
        %parallel_loop3A_178 = arith.addi %parallel_loop3A_177, %parallel_loop3A_176 : i32
        %parallel_loop3A_179 = arith.index_cast %parallel_loop3A_178 : i32 to index
        %parallel_loop3A_180 = tpu.vector_load %arg6[%parallel_loop3A_179] {strides = array<i32>} : memref<16384xi32, #tpu.memory_space<vmem>>, vector<16xi32>,
        %parallel_loop3A_181 = arith.addi %parallel_loop3A_174, %parallel_loop3A_180 : vector<16xi32>
        %parallel_loop3A_182 = arith.constant 16 : i32
        %parallel_loop3A_183 = arith.muli %parallel_loop3A_83, %parallel_loop3A_182 : i32
        %parallel_loop3A_184 = arith.constant 14336 : i32
        %parallel_loop3A_185 = arith.addi %parallel_loop3A_184, %parallel_loop3A_183 : i32
        %parallel_loop3A_186 = arith.index_cast %parallel_loop3A_185 : i32 to index
        %parallel_loop3A_187 = tpu.vector_load %arg6[%parallel_loop3A_186] {strides = array<i32>} : memref<16384xi32, #tpu.memory_space<vmem>>, vector<16xi32>,
        %parallel_loop3A_188 = arith.addi %parallel_loop3A_181, %parallel_loop3A_187 : vector<16xi32>
        %parallel_loop3A_189 = arith.constant 16 : i32
        %parallel_loop3A_190 = arith.muli %parallel_loop3A_83, %parallel_loop3A_189 : i32
        %parallel_loop3A_191 = arith.constant 15360 : i32
        %parallel_loop3A_192 = arith.addi %parallel_loop3A_191, %parallel_loop3A_190 : i32
        %parallel_loop3A_193 = arith.index_cast %parallel_loop3A_192 : i32 to index
        %parallel_loop3A_194 = tpu.vector_load %arg6[%parallel_loop3A_193] {strides = array<i32>} : memref<16384xi32, #tpu.memory_space<vmem>>, vector<16xi32>,
        %parallel_loop3A_195 = arith.addi %parallel_loop3A_188, %parallel_loop3A_194 : vector<16xi32>
        %parallel_loop3A_196 = arith.constant 16 : i32
        %parallel_loop3A_197 = arith.muli %parallel_loop3A_83, %parallel_loop3A_196 : i32
        %parallel_loop3A_198 = arith.index_cast %parallel_loop3A_197 : i32 to index
        %parallel_loop3A_199 = tpu.vector_load %arg7[%parallel_loop3A_198] {strides = array<i32>} : memref<1024xi32, #tpu.memory_space<vmem>>, vector<16xi32>,
        tpu.vector_store %arg7[%parallel_loop3A_198], %parallel_loop3A_195 {strides = array<i32>} : memref<1024xi32, #tpu.memory_space<vmem>>, vector<16xi32>,
      } {sc.loop_unroll_factor = 2 : i64, sc.parallel_access}
      %scan3A_29 = arith.constant 0 : i32
      %scan3A_30 = arith.constant 64 : i32
      %scan3A_31 = arith.addi %scan3A_29, %scan3A_30 : i32
      %scan3A_32 = arith.constant 1 : i32
      %scan3A_33:3 = scf.for %scan3A_83 = %scan3A_29 to %scan3A_31 step %scan3A_32 iter_args(%scan3A_84 = %broadcast_in_dim3A_12, %scan3A_85 = %broadcast_in_dim3A_12, %scan3A_86 = %broadcast_in_dim3A_12) -> (vector<16xi32>, vector<16xi32>, vector<16xi32>)  : i32 {
        %mul3A_87 = arith.constant 16 : i32
        %mul3A_88 = arith.muli %scan3A_83, %mul3A_87 : i32
        %sub3A_89 = arith.constant 1008 : i32
        %sub3A_90 = arith.subi %sub3A_89, %mul3A_88 : i32
        %get3A = arith.index_cast %sub3A_90 : i32 to index
        %get3A_91 = tpu.vector_load %arg7[%get3A] {strides = array<i32>} : memref<1024xi32, #tpu.memory_space<vmem>>, vector<16xi32>,
        %rev3A = arith.constant 15 : i32
        %rev3A_92 = vector.broadcast %rev3A : i32 to vector<16xi32>
        %rev3A_93 = tpu.iota {dimensions = array<i32: 0>} : vector<16xi32>
        %rev3A_94 = arith.subi %rev3A_92, %rev3A_93 : vector<16xi32>
        %rev3A_95 = tpu.dynamic_gather %get3A_91[%rev3A_94] in [0] : vector<16xi32>, vector<16xi32> -> vector<16xi32>
        %broadcast_in_dim3A_96 = arith.constant true
        %broadcast_in_dim3A_97 = vector.broadcast %broadcast_in_dim3A_96 : i1 to vector<16xi1>
        %masked_cumsum3A = tpu.scan <sum>, %rev3A_95 masked %broadcast_in_dim3A_97 : vector<16xi32>, vector<16xi1> -> vector<16xi32>
        %add3A_98 = arith.addi %masked_cumsum3A, %scan3A_84 : vector<16xi32>
        %ge3A = arith.constant 98 : i32
        %ge3A_99 = vector.broadcast %ge3A : i32 to vector<16xi32>
        %ge3A_100 = arith.cmpi sge, %add3A_98, %ge3A_99 : vector<16xi32>
        %reduce_or3A = arith.constant 1.000000e+00 : f32
        %reduce_or3A_101 = arith.constant 0.000000e+00 : f32
        %reduce_or3A_102 = vector.broadcast %reduce_or3A : f32 to vector<16xf32>
        %reduce_or3A_103 = vector.broadcast %reduce_or3A_101 : f32 to vector<16xf32>
        %reduce_or3A_104 = arith.select %ge3A_100, %reduce_or3A_102, %reduce_or3A_103 : vector<16xi1>, vector<16xf32>
        %reduce_or3A_105 = arith.constant true
        %reduce_or3A_106 = vector.broadcast %reduce_or3A_105 : i1 to vector<16xi1>
        %reduce_or3A_107 = tpu.scan <max>, %reduce_or3A_104 masked %reduce_or3A_106 : vector<16xf32>, vector<16xi1> -> vector<16xf32>
        %reduce_or3A_108 = vector.extract %reduce_or3A_107[15] : f32 from vector<16xf32>
        %reduce_or3A_109 = arith.constant 0.000000e+00 : f32
        %reduce_or3A_110 = arith.cmpf ogt, %reduce_or3A_108, %reduce_or3A_109 : f32
        %broadcast_in_dim3A_111 = vector.broadcast %reduce_or3A_110 : i1 to vector<16xi1>
        %all_reduce_ffs3A = tpu.all_reduce %ge3A_100 {dim = 0 : i64, kind = #tpu.reduction_kind<find_first_set>} : vector<16xi1> -> vector<16xi32>
        %add3A_112 = arith.addi %broadcast_in_dim3A_12, %all_reduce_ffs3A : vector<16xi32>
        %mul3A_113 = arith.constant 16 : i32
        %mul3A_114 = arith.muli %scan3A_83, %mul3A_113 : i32
        %add3A_115 = vector.broadcast %mul3A_114 : i32 to vector<16xi32>
        %add3A_116 = arith.addi %add3A_115, %add3A_112 : vector<16xi32>
        %sub3A_117 = arith.constant 1023 : i32
        %sub3A_118 = vector.broadcast %sub3A_117 : i32 to vector<16xi32>
        %sub3A_119 = arith.subi %sub3A_118, %add3A_116 : vector<16xi32>
        %eq3A = arith.constant 0 : i32
        %eq3A_120 = vector.broadcast %eq3A : i32 to vector<16xi32>
        %eq3A_121 = arith.cmpi eq, %scan3A_86, %eq3A_120 : vector<16xi32>
        %and3A = arith.andi %broadcast_in_dim3A_111, %eq3A_121 : vector<16xi1>
        %select_n3A = arith.select %and3A, %sub3A_119, %scan3A_85 : vector<16xi1>, vector<16xi32>
        %select_n3A_122 = arith.select %broadcast_in_dim3A_111, %broadcast_in_dim3A_14, %scan3A_86 : vector<16xi1>, vector<16xi32>
        %reduce_max3A_123 = arith.constant true
        %reduce_max3A_124 = vector.broadcast %reduce_max3A_123 : i1 to vector<16xi1>
        %reduce_max3A_125 = arith.constant -2147483648 : i32
        %reduce_max3A_126 = vector.broadcast %reduce_max3A_125 : i32 to vector<16xi32>
        %reduce_max3A_127 = arith.xori %add3A_98, %reduce_max3A_126 : vector<16xi32>
        %reduce_max3A_128 = tpu.scan <max>, %reduce_max3A_127 masked %reduce_max3A_124 : vector<16xi32>, vector<16xi1> -> vector<16xi32>
        %reduce_max3A_129 = arith.xori %reduce_max3A_128, %reduce_max3A_126 : vector<16xi32>
        %reduce_max3A_130 = vector.extract %reduce_max3A_129[15] : i32 from vector<16xi32>
        %broadcast_in_dim3A_131 = vector.broadcast %reduce_max3A_130 : i32 to vector<16xi32>
        scf.yield %broadcast_in_dim3A_131, %select_n3A, %select_n3A_122 : vector<16xi32>, vector<16xi32>, vector<16xi32>
      }
      %scan3A_34 = arith.constant 64 : i32
      %parallel_loop3A_35 = arith.constant 0 : i32
      %parallel_loop3A_36 = arith.constant 256 : i32
      %parallel_loop3A_37 = arith.constant 1 : i32
      scf.for %parallel_loop3A_83 = %parallel_loop3A_35 to %parallel_loop3A_36 step %parallel_loop3A_37  : i32 {
        %parallel_loop3A_84 = arith.constant 16 : i32
        %parallel_loop3A_85 = arith.muli %parallel_loop3A_83, %parallel_loop3A_84 : i32
        %parallel_loop3A_86 = arith.index_cast %parallel_loop3A_85 : i32 to index
        %parallel_loop3A_87 = tpu.vector_load %arg8[%parallel_loop3A_86] {strides = array<i32>} : memref<4096xf32, #tpu.memory_space<vmem>>, vector<16xf32>,
        tpu.vector_store %arg8[%parallel_loop3A_86], %broadcast_in_dim3A_16 {strides = array<i32>} : memref<4096xf32, #tpu.memory_space<vmem>>, vector<16xf32>,
      } {sc.loop_unroll_factor = 8 : i64, sc.parallel_access}
      %parallel_loop3A_38 = arith.constant 0 : i32
      %parallel_loop3A_39 = arith.constant 6250 : i32
      %parallel_loop3A_40 = arith.constant 1 : i32
      %parallel_loop3A_41:2 = scf.for %parallel_loop3A_83 = %parallel_loop3A_38 to %parallel_loop3A_39 step %parallel_loop3A_40 iter_args(%parallel_loop3A_84 = %broadcast_in_dim3A_12, %parallel_loop3A_85 = %broadcast_in_dim3A_10) -> (vector<16xi32>, vector<16xf32>)  : i32 {
        %parallel_loop3A_86 = arith.constant 16 : i32
        %parallel_loop3A_87 = arith.muli %parallel_loop3A_83, %parallel_loop3A_86 : i32
        %parallel_loop3A_88 = arith.index_cast %parallel_loop3A_87 : i32 to index
        %parallel_loop3A_89 = tpu.vector_load %arg5[%parallel_loop3A_88] {strides = array<i32>} : memref<100000xf32, #tpu.memory_space<vmem>>, vector<16xf32>,
        %parallel_loop3A_90 = tpu.bitcast %parallel_loop3A_89 : vector<16xf32> -> vector<16xi32>
        %parallel_loop3A_91 = arith.constant 0 : i32
        %parallel_loop3A_92 = vector.broadcast %parallel_loop3A_91 : i32 to vector<16xi32>
        %parallel_loop3A_93 = arith.cmpi slt, %parallel_loop3A_90, %parallel_loop3A_92 : vector<16xi32>
        %parallel_loop3A_94 = arith.constant dense<-1> : vector<16xi32>
        %parallel_loop3A_95 = arith.xori %parallel_loop3A_90, %parallel_loop3A_94 : vector<16xi32>
        %parallel_loop3A_96 = arith.constant -2147483648 : i32
        %parallel_loop3A_97 = vector.broadcast %parallel_loop3A_96 : i32 to vector<16xi32>
        %parallel_loop3A_98 = arith.xori %parallel_loop3A_90, %parallel_loop3A_97 : vector<16xi32>
        %parallel_loop3A_99 = arith.select %parallel_loop3A_93, %parallel_loop3A_95, %parallel_loop3A_98 : vector<16xi1>, vector<16xi32>
        %parallel_loop3A_100 = tpu.bitcast %parallel_loop3A_99 : vector<16xi32> -> vector<16xi32>
        %parallel_loop3A_101 = arith.constant 22 : i32
        %parallel_loop3A_102 = vector.broadcast %parallel_loop3A_101 : i32 to vector<16xi32>
        %parallel_loop3A_103 = arith.shrui %parallel_loop3A_100, %parallel_loop3A_102 : vector<16xi32>
        %parallel_loop3A_104 = arith.cmpi sge, %parallel_loop3A_103, %scan3A_33#1 : vector<16xi32>
        %parallel_loop3A_105 = arith.constant 255 : i32
        %parallel_loop3A_106 = vector.broadcast %parallel_loop3A_105 : i32 to vector<16xi32>
        %parallel_loop3A_107 = arith.minsi %parallel_loop3A_84, %parallel_loop3A_106 : vector<16xi32>
        %parallel_loop3A_108 = arith.constant 16 : i32
        %parallel_loop3A_109 = vector.broadcast %parallel_loop3A_108 : i32 to vector<16xi32>
        %parallel_loop3A_110 = arith.muli %parallel_loop3A_107, %parallel_loop3A_109 : vector<16xi32>
        %parallel_loop3A_111 = arith.addi %parallel_loop3A_110, %iota3A : vector<16xi32>
        tpu.vector_store_idx %arg8[%parallel_loop3A_111], %parallel_loop3A_89 masked %parallel_loop3A_104 : memref<4096xf32, #tpu.memory_space<vmem>>[vector<16xi32>], vector<16xf32>, vector<16xi1>
        %parallel_loop3A_112 = arith.constant 1 : i32
        %parallel_loop3A_113 = arith.constant 0 : i32
        %parallel_loop3A_114 = vector.broadcast %parallel_loop3A_112 : i32 to vector<16xi32>
        %parallel_loop3A_115 = vector.broadcast %parallel_loop3A_113 : i32 to vector<16xi32>
        %parallel_loop3A_116 = arith.select %parallel_loop3A_104, %parallel_loop3A_114, %parallel_loop3A_115 : vector<16xi1>, vector<16xi32>
        %parallel_loop3A_117 = arith.addi %parallel_loop3A_84, %parallel_loop3A_116 : vector<16xi32>
        %parallel_loop3A_118 = arith.constant 1.300000e+00 : f32
        %parallel_loop3A_119 = vector.broadcast %parallel_loop3A_118 : f32 to vector<16xf32>
        %parallel_loop3A_120 = arith.divf %parallel_loop3A_89, %parallel_loop3A_119 : vector<16xf32>
        %parallel_loop3A_121 = math.exp %parallel_loop3A_120 : vector<16xf32>
        %parallel_loop3A_122 = arith.addf %parallel_loop3A_85, %parallel_loop3A_121 : vector<16xf32>
        scf.yield %parallel_loop3A_117, %parallel_loop3A_122 : vector<16xi32>, vector<16xf32>
      } {sc.loop_unroll_factor = 10 : i64, sc.parallel_access}
      %reduce_sum3A = arith.constant true
      %reduce_sum3A_42 = vector.broadcast %reduce_sum3A : i1 to vector<16xi1>
      %reduce_sum3A_43 = tpu.scan <sum>, %parallel_loop3A_41#1 masked %reduce_sum3A_42 : vector<16xf32>, vector<16xi1> -> vector<16xf32>
      %reduce_sum3A_44 = vector.extract %reduce_sum3A_43[15] : f32 from vector<16xf32>
      %broadcast_in_dim3A_45 = vector.broadcast %reduce_sum3A_44 : f32 to vector<16xf32>
      %reduce_max3A = arith.constant true
      %reduce_max3A_46 = vector.broadcast %reduce_max3A : i1 to vector<16xi1>
      %reduce_max3A_47 = arith.constant -2147483648 : i32
      %reduce_max3A_48 = vector.broadcast %reduce_max3A_47 : i32 to vector<16xi32>
      %reduce_max3A_49 = arith.xori %parallel_loop3A_41#0, %reduce_max3A_48 : vector<16xi32>
      %reduce_max3A_50 = tpu.scan <max>, %reduce_max3A_49 masked %reduce_max3A_46 : vector<16xi32>, vector<16xi1> -> vector<16xi32>
      %reduce_max3A_51 = arith.xori %reduce_max3A_50, %reduce_max3A_48 : vector<16xi32>
      %reduce_max3A_52 = vector.extract %reduce_max3A_51[15] : i32 from vector<16xi32>
      %scan3A_53 = arith.constant 0 : i32
      %scan3A_54 = arith.constant 98 : i32
      %scan3A_55 = arith.addi %scan3A_53, %scan3A_54 : i32
      %scan3A_56 = arith.constant 1 : i32
      %scan3A_57:7 = scf.for %scan3A_83 = %scan3A_53 to %scan3A_55 step %scan3A_56 iter_args(%scan3A_84 = %broadcast_in_dim3A_10, %scan3A_85 = %broadcast_in_dim3A_12, %scan3A_86 = %broadcast_in_dim3A_16, %scan3A_87 = %broadcast_in_dim3A_12, %scan3A_88 = %broadcast_in_dim3A_18, %scan3A_89 = %broadcast_in_dim3A_12, %scan3A_90 = %broadcast_in_dim3A_12) -> (vector<16xf32>, vector<16xi32>, vector<16xf32>, vector<16xi32>, vector<16xf32>, vector<16xi32>, vector<16xi32>)  : i32 {
        %add3A_91 = vector.broadcast %scan3A_83 : i32 to vector<16xi32>
        %add3A_92 = arith.addi %broadcast_in_dim3A_12, %add3A_91 : vector<16xi32>
        %parallel_loop3A_93 = arith.constant 0 : i32
        %parallel_loop3A_94 = arith.constant 1 : i32
        %parallel_loop3A_95 = scf.for %parallel_loop3A_136 = %parallel_loop3A_93 to %reduce_max3A_52 step %parallel_loop3A_94 iter_args(%parallel_loop3A_137 = %broadcast_in_dim3A_16) -> (vector<16xf32>)  : i32 {
          %parallel_loop3A_138 = arith.constant 16 : i32
          %parallel_loop3A_139 = arith.muli %parallel_loop3A_136, %parallel_loop3A_138 : i32
          %parallel_loop3A_140 = arith.index_cast %parallel_loop3A_139 : i32 to index
          %parallel_loop3A_141 = tpu.vector_load %arg8[%parallel_loop3A_140] {strides = array<i32>} : memref<4096xf32, #tpu.memory_space<vmem>>, vector<16xf32>,
          %parallel_loop3A_142 = arith.maximumf %parallel_loop3A_137, %parallel_loop3A_141 : vector<16xf32>
          scf.yield %parallel_loop3A_142 : vector<16xf32>
        } {sc.loop_unroll_factor = 2 : i64, sc.parallel_access}
        %reduce_max3A_96 = arith.constant true
        %reduce_max3A_97 = vector.broadcast %reduce_max3A_96 : i1 to vector<16xi1>
        %reduce_max3A_98 = tpu.scan <max>, %parallel_loop3A_95 masked %reduce_max3A_97 : vector<16xf32>, vector<16xi1> -> vector<16xf32>
        %reduce_max3A_99 = vector.extract %reduce_max3A_98[15] : f32 from vector<16xf32>
        %broadcast_in_dim3A_100 = vector.broadcast %reduce_max3A_99 : f32 to vector<16xf32>
        %while3A = arith.constant 0 : i32
        %while3A_101 = arith.subi %reduce_max3A_52, %while3A : i32
        %while3A_102 = arith.addi %while3A, %while3A_101 : i32
        %while3A_103 = arith.constant 1 : i32
        %while3A_104 = arith.divsi %while3A_101, %while3A_103 : i32
        %while3A_105 = arith.muli %while3A_104, %while3A_103 : i32
        %while3A_106 = arith.addi %while3A, %while3A_105 : i32
        %while3A_107 = arith.constant 1 : i32
        %while3A_108 = scf.for %while3A_136 = %while3A to %while3A_106 step %while3A_107 iter_args(%while3A_137 = %broadcast_in_dim3A_12) -> (vector<16xi32>)  : i32 {
          %mul3A_138 = arith.constant 16 : i32
          %mul3A_139 = arith.muli %while3A_136, %mul3A_138 : i32
          %get3A = arith.index_cast %mul3A_139 : i32 to index
          %get3A_140 = tpu.vector_load %arg8[%get3A] {strides = array<i32>} : memref<4096xf32, #tpu.memory_space<vmem>>, vector<16xf32>,
          %eq3A_141 = arith.cmpf oeq, %get3A_140, %broadcast_in_dim3A_100 : vector<16xf32>
          %reduce_or3A = arith.constant 1.000000e+00 : f32
          %reduce_or3A_142 = arith.constant 0.000000e+00 : f32
          %reduce_or3A_143 = vector.broadcast %reduce_or3A : f32 to vector<16xf32>
          %reduce_or3A_144 = vector.broadcast %reduce_or3A_142 : f32 to vector<16xf32>
          %reduce_or3A_145 = arith.select %eq3A_141, %reduce_or3A_143, %reduce_or3A_144 : vector<16xi1>, vector<16xf32>
          %reduce_or3A_146 = arith.constant true
          %reduce_or3A_147 = vector.broadcast %reduce_or3A_146 : i1 to vector<16xi1>
          %reduce_or3A_148 = tpu.scan <max>, %reduce_or3A_145 masked %reduce_or3A_147 : vector<16xf32>, vector<16xi1> -> vector<16xf32>
          %reduce_or3A_149 = vector.extract %reduce_or3A_148[15] : f32 from vector<16xf32>
          %reduce_or3A_150 = arith.constant 0.000000e+00 : f32
          %reduce_or3A_151 = arith.cmpf ogt, %reduce_or3A_149, %reduce_or3A_150 : f32
          %broadcast_in_dim3A_152 = vector.broadcast %reduce_or3A_151 : i1 to vector<16xi1>
          %all_reduce_ffs3A = tpu.all_reduce %eq3A_141 {dim = 0 : i64, kind = #tpu.reduction_kind<find_first_set>} : vector<16xi1> -> vector<16xi32>
          %add3A_153 = arith.addi %broadcast_in_dim3A_12, %all_reduce_ffs3A : vector<16xi32>
          %eq3A_154 = arith.constant 0 : i32
          %eq3A_155 = vector.broadcast %eq3A_154 : i32 to vector<16xi32>
          %eq3A_156 = arith.cmpi eq, %while3A_137, %eq3A_155 : vector<16xi32>
          %and3A = arith.andi %eq3A_156, %broadcast_in_dim3A_152 : vector<16xi1>
          %eq3A_157 = arith.cmpi eq, %iota3A, %add3A_153 : vector<16xi32>
          %and3A_158 = arith.andi %and3A, %eq3A_157 : vector<16xi1>
          %select_n3A_159 = arith.select %and3A_158, %broadcast_in_dim3A_16, %get3A_140 : vector<16xi1>, vector<16xf32>
          %mul3A_160 = arith.constant 16 : i32
          %mul3A_161 = arith.muli %while3A_136, %mul3A_160 : i32
          %swap3A = arith.index_cast %mul3A_161 : i32 to index
          %swap3A_162 = tpu.vector_load %arg8[%swap3A] {strides = array<i32>} : memref<4096xf32, #tpu.memory_space<vmem>>, vector<16xf32>,
          tpu.vector_store %arg8[%swap3A], %select_n3A_159 {strides = array<i32>} : memref<4096xf32, #tpu.memory_space<vmem>>, vector<16xf32>,
          %select_n3A_163 = arith.select %broadcast_in_dim3A_152, %broadcast_in_dim3A_14, %while3A_137 : vector<16xi1>, vector<16xi32>
          scf.yield %select_n3A_163 : vector<16xi32>
        }
        %while3A_109 = arith.constant 1 : i32
        %while3A_110 = scf.for %while3A_136 = %while3A_106 to %while3A_102 step %while3A_109 iter_args(%while3A_137 = %while3A_108) -> (vector<16xi32>)  : i32 {
          %mul3A_138 = arith.constant 16 : i32
          %mul3A_139 = arith.muli %while3A_136, %mul3A_138 : i32
          %get3A = arith.index_cast %mul3A_139 : i32 to index
          %get3A_140 = tpu.vector_load %arg8[%get3A] {strides = array<i32>} : memref<4096xf32, #tpu.memory_space<vmem>>, vector<16xf32>,
          %eq3A_141 = arith.cmpf oeq, %get3A_140, %broadcast_in_dim3A_100 : vector<16xf32>
          %reduce_or3A = arith.constant 1.000000e+00 : f32
          %reduce_or3A_142 = arith.constant 0.000000e+00 : f32
          %reduce_or3A_143 = vector.broadcast %reduce_or3A : f32 to vector<16xf32>
          %reduce_or3A_144 = vector.broadcast %reduce_or3A_142 : f32 to vector<16xf32>
          %reduce_or3A_145 = arith.select %eq3A_141, %reduce_or3A_143, %reduce_or3A_144 : vector<16xi1>, vector<16xf32>
          %reduce_or3A_146 = arith.constant true
          %reduce_or3A_147 = vector.broadcast %reduce_or3A_146 : i1 to vector<16xi1>
          %reduce_or3A_148 = tpu.scan <max>, %reduce_or3A_145 masked %reduce_or3A_147 : vector<16xf32>, vector<16xi1> -> vector<16xf32>
          %reduce_or3A_149 = vector.extract %reduce_or3A_148[15] : f32 from vector<16xf32>
          %reduce_or3A_150 = arith.constant 0.000000e+00 : f32
          %reduce_or3A_151 = arith.cmpf ogt, %reduce_or3A_149, %reduce_or3A_150 : f32
          %broadcast_in_dim3A_152 = vector.broadcast %reduce_or3A_151 : i1 to vector<16xi1>
          %all_reduce_ffs3A = tpu.all_reduce %eq3A_141 {dim = 0 : i64, kind = #tpu.reduction_kind<find_first_set>} : vector<16xi1> -> vector<16xi32>
          %add3A_153 = arith.addi %broadcast_in_dim3A_12, %all_reduce_ffs3A : vector<16xi32>
          %eq3A_154 = arith.constant 0 : i32
          %eq3A_155 = vector.broadcast %eq3A_154 : i32 to vector<16xi32>
          %eq3A_156 = arith.cmpi eq, %while3A_137, %eq3A_155 : vector<16xi32>
          %and3A = arith.andi %eq3A_156, %broadcast_in_dim3A_152 : vector<16xi1>
          %eq3A_157 = arith.cmpi eq, %iota3A, %add3A_153 : vector<16xi32>
          %and3A_158 = arith.andi %and3A, %eq3A_157 : vector<16xi1>
          %select_n3A_159 = arith.select %and3A_158, %broadcast_in_dim3A_16, %get3A_140 : vector<16xi1>, vector<16xf32>
          %mul3A_160 = arith.constant 16 : i32
          %mul3A_161 = arith.muli %while3A_136, %mul3A_160 : i32
          %swap3A = arith.index_cast %mul3A_161 : i32 to index
          %swap3A_162 = tpu.vector_load %arg8[%swap3A] {strides = array<i32>} : memref<4096xf32, #tpu.memory_space<vmem>>, vector<16xf32>,
          tpu.vector_store %arg8[%swap3A], %select_n3A_159 {strides = array<i32>} : memref<4096xf32, #tpu.memory_space<vmem>>, vector<16xf32>,
          %select_n3A_163 = arith.select %broadcast_in_dim3A_152, %broadcast_in_dim3A_14, %while3A_137 : vector<16xi1>, vector<16xi32>
          scf.yield %select_n3A_163 : vector<16xi32>
        }
        %lt3A = arith.cmpf olt, %broadcast_in_dim3A_100, %scan3A_88 : vector<16xf32>
        %select_n3A = arith.select %lt3A, %add3A_92, %scan3A_89 : vector<16xi1>, vector<16xi32>
        %select_n3A_111 = arith.select %lt3A, %broadcast_in_dim3A_100, %scan3A_88 : vector<16xi1>, vector<16xf32>
        %div3A = arith.constant 1.300000e+00 : f32
        %div3A_112 = vector.broadcast %div3A : f32 to vector<16xf32>
        %div3A_113 = arith.divf %broadcast_in_dim3A_100, %div3A_112 : vector<16xf32>
        %exp3A = math.exp %div3A_113 : vector<16xf32>
        %div3A_114 = arith.divf %exp3A, %broadcast_in_dim3A_45 : vector<16xf32>
        %add3A_115 = arith.addf %scan3A_84, %div3A_114 : vector<16xf32>
        %gather3A = tpu.vector_load_idx %arg9[%add3A_92] : memref<112xf32, #tpu.memory_space<vmem>>[vector<16xi32>], vector<16xf32>,
        %add3A_116 = arith.addf %add3A_115, %gather3A : vector<16xf32>
        %le3A = arith.cmpf ole, %add3A_116, %broadcast_in_dim3A_20 : vector<16xf32>
        %jit3A = arith.constant 0 : i32
        %jit3A_117 = arith.constant 1 : i32
        %broadcast_in_dim3A_118 = vector.broadcast %jit3A : i32 to vector<16xi32>
        %broadcast_in_dim3A_119 = vector.broadcast %jit3A_117 : i32 to vector<16xi32>
        %select_n3A_120 = arith.select %le3A, %broadcast_in_dim3A_118, %broadcast_in_dim3A_119 : vector<16xi1>, vector<16xi32>
        %sub3A_121 = arith.constant 1 : i32
        %sub3A_122 = vector.broadcast %sub3A_121 : i32 to vector<16xi32>
        %sub3A_123 = arith.subi %sub3A_122, %select_n3A_120 : vector<16xi32>
        %add3A_124 = arith.addi %scan3A_85, %sub3A_123 : vector<16xi32>
        %sub3A_125 = arith.constant 1 : i32
        %sub3A_126 = vector.broadcast %sub3A_125 : i32 to vector<16xi32>
        %sub3A_127 = arith.subi %sub3A_126, %scan3A_87 : vector<16xi32>
        %mul3A_128 = arith.muli %select_n3A_120, %sub3A_127 : vector<16xi32>
        %eq3A = arith.constant 1 : i32
        %eq3A_129 = vector.broadcast %eq3A : i32 to vector<16xi32>
        %eq3A_130 = arith.cmpi eq, %mul3A_128, %eq3A_129 : vector<16xi32>
        %select_n3A_131 = arith.select %eq3A_130, %broadcast_in_dim3A_100, %scan3A_86 : vector<16xi1>, vector<16xf32>
        %eq3A_132 = arith.constant 1 : i32
        %eq3A_133 = vector.broadcast %eq3A_132 : i32 to vector<16xi32>
        %eq3A_134 = arith.cmpi eq, %mul3A_128, %eq3A_133 : vector<16xi32>
        %select_n3A_135 = arith.select %eq3A_134, %select_n3A, %scan3A_90 : vector<16xi1>, vector<16xi32>
        %max3A = arith.maxsi %scan3A_87, %select_n3A_120 : vector<16xi32>
        scf.yield %add3A_115, %add3A_124, %select_n3A_131, %max3A, %select_n3A_111, %select_n3A, %select_n3A_135 : vector<16xf32>, vector<16xi32>, vector<16xf32>, vector<16xi32>, vector<16xf32>, vector<16xi32>, vector<16xi32>
      }
      %scan3A_58 = arith.constant 98 : i32
      %add3A_59 = arith.constant 1 : i32
      %add3A_60 = vector.broadcast %add3A_59 : i32 to vector<16xi32>
      %add3A_61 = arith.addi %scan3A_57#1, %add3A_60 : vector<16xi32>
      %sub3A = arith.subi %add3A_61, %scan3A_57#6 : vector<16xi32>
      %broadcast_in_dim3A_62 = arith.constant 1.000000e+00 : f32
      %broadcast_in_dim3A_63 = vector.broadcast %broadcast_in_dim3A_62 : f32 to vector<16xf32>
      %broadcast_in_dim3A_64 = arith.constant 2.000000e+00 : f32
      %broadcast_in_dim3A_65 = vector.broadcast %broadcast_in_dim3A_64 : f32 to vector<16xf32>
      %parallel_loop3A_66 = arith.constant 0 : i32
      %parallel_loop3A_67 = arith.constant 6250 : i32
      %parallel_loop3A_68 = arith.constant 1 : i32
      %parallel_loop3A_69 = scf.for %parallel_loop3A_83 = %parallel_loop3A_66 to %parallel_loop3A_67 step %parallel_loop3A_68 iter_args(%parallel_loop3A_84 = %broadcast_in_dim3A_12) -> (vector<16xi32>)  : i32 {
        %parallel_loop3A_85 = arith.constant 16 : i32
        %parallel_loop3A_86 = arith.muli %parallel_loop3A_83, %parallel_loop3A_85 : i32
        %parallel_loop3A_87 = arith.index_cast %parallel_loop3A_86 : i32 to index
        %parallel_loop3A_88 = tpu.vector_load %arg5[%parallel_loop3A_87] {strides = array<i32>} : memref<100000xf32, #tpu.memory_space<vmem>>, vector<16xf32>,
        %parallel_loop3A_89 = arith.cmpf ogt, %parallel_loop3A_88, %scan3A_57#2 : vector<16xf32>
        %parallel_loop3A_90 = arith.cmpf oeq, %parallel_loop3A_88, %scan3A_57#2 : vector<16xf32>
        %parallel_loop3A_91 = arith.select %parallel_loop3A_90, %broadcast_in_dim3A_65, %broadcast_in_dim3A_10 : vector<16xi1>, vector<16xf32>
        %parallel_loop3A_92 = arith.select %parallel_loop3A_89, %broadcast_in_dim3A_63, %parallel_loop3A_91 : vector<16xi1>, vector<16xf32>
        %parallel_loop3A_93 = arith.index_cast %parallel_loop3A_86 : i32 to index
        %parallel_loop3A_94 = tpu.vector_load %arg5[%parallel_loop3A_93] {strides = array<i32>} : memref<100000xf32, #tpu.memory_space<vmem>>, vector<16xf32>,
        tpu.vector_store %arg5[%parallel_loop3A_93], %parallel_loop3A_92 {strides = array<i32>} : memref<100000xf32, #tpu.memory_space<vmem>>, vector<16xf32>,
        %parallel_loop3A_95 = arith.constant 1 : i32
        %parallel_loop3A_96 = arith.constant 0 : i32
        %parallel_loop3A_97 = vector.broadcast %parallel_loop3A_95 : i32 to vector<16xi32>
        %parallel_loop3A_98 = vector.broadcast %parallel_loop3A_96 : i32 to vector<16xi32>
        %parallel_loop3A_99 = arith.select %parallel_loop3A_90, %parallel_loop3A_97, %parallel_loop3A_98 : vector<16xi1>, vector<16xi32>
        %parallel_loop3A_100 = arith.addi %parallel_loop3A_84, %parallel_loop3A_99 : vector<16xi32>
        scf.yield %parallel_loop3A_100 : vector<16xi32>
      } {sc.loop_unroll_factor = 10 : i64, sc.parallel_access}
      %reduce_sum3A_70 = arith.constant true
      %reduce_sum3A_71 = vector.broadcast %reduce_sum3A_70 : i1 to vector<16xi1>
      %reduce_sum3A_72 = tpu.scan <sum>, %parallel_loop3A_69 masked %reduce_sum3A_71 : vector<16xi32>, vector<16xi1> -> vector<16xi32>
      %reduce_sum3A_73 = vector.extract %reduce_sum3A_72[15] : i32 from vector<16xi32>
      %reduce_max3A_74 = arith.constant true
      %reduce_max3A_75 = vector.broadcast %reduce_max3A_74 : i1 to vector<16xi1>
      %reduce_max3A_76 = arith.constant -2147483648 : i32
      %reduce_max3A_77 = vector.broadcast %reduce_max3A_76 : i32 to vector<16xi32>
      %reduce_max3A_78 = arith.xori %sub3A, %reduce_max3A_77 : vector<16xi32>
      %reduce_max3A_79 = tpu.scan <max>, %reduce_max3A_78 masked %reduce_max3A_75 : vector<16xi32>, vector<16xi1> -> vector<16xi32>
      %reduce_max3A_80 = arith.xori %reduce_max3A_79, %reduce_max3A_77 : vector<16xi32>
      %reduce_max3A_81 = vector.extract %reduce_max3A_80[15] : i32 from vector<16xi32>
      %gt3A = arith.cmpi sgt, %reduce_sum3A_73, %reduce_max3A_81 : i32
      %convert_element_type3A = arith.extui %gt3A : i1 to i32
      %cond3A = arith.constant 0 : i32
      %cond3A_82 = arith.cmpi ne, %convert_element_type3A, %cond3A : i32
      scf.if %cond3A_82 {
        %scan3A_83 = arith.constant 0 : i32
        %scan3A_84 = arith.constant 6250 : i32
        %scan3A_85 = arith.addi %scan3A_83, %scan3A_84 : i32
        %scan3A_86 = arith.constant 1 : i32
        %scan3A_87 = scf.for %scan3A_89 = %scan3A_83 to %scan3A_85 step %scan3A_86 iter_args(%scan3A_90 = %broadcast_in_dim3A_12) -> (vector<16xi32>)  : i32 {
          %mul3A_91 = arith.constant 16 : i32
          %mul3A_92 = arith.muli %scan3A_89, %mul3A_91 : i32
          %get3A = arith.index_cast %mul3A_92 : i32 to index
          %get3A_93 = tpu.vector_load %arg5[%get3A] {strides = array<i32>} : memref<100000xf32, #tpu.memory_space<vmem>>, vector<16xf32>,
          %eq3A = arith.cmpf oeq, %get3A_93, %broadcast_in_dim3A_65 : vector<16xf32>
          %jit3A = arith.constant 1 : i32
          %jit3A_94 = arith.constant 0 : i32
          %broadcast_in_dim3A_95 = vector.broadcast %jit3A : i32 to vector<16xi32>
          %broadcast_in_dim3A_96 = vector.broadcast %jit3A_94 : i32 to vector<16xi32>
          %select_n3A = arith.select %eq3A, %broadcast_in_dim3A_95, %broadcast_in_dim3A_96 : vector<16xi1>, vector<16xi32>
          %broadcast_in_dim3A_97 = arith.constant true
          %broadcast_in_dim3A_98 = vector.broadcast %broadcast_in_dim3A_97 : i1 to vector<16xi1>
          %masked_cumsum3A = tpu.scan <sum>, %select_n3A masked %broadcast_in_dim3A_98 : vector<16xi32>, vector<16xi1> -> vector<16xi32>
          %add3A_99 = arith.addi %scan3A_90, %masked_cumsum3A : vector<16xi32>
          %sub3A_100 = arith.subi %add3A_99, %select_n3A : vector<16xi32>
          %lt3A = arith.cmpi slt, %sub3A_100, %sub3A : vector<16xi32>
          %select_n3A_101 = arith.select %lt3A, %broadcast_in_dim3A_63, %broadcast_in_dim3A_10 : vector<16xi1>, vector<16xf32>
          %select_n3A_102 = arith.select %eq3A, %select_n3A_101, %get3A_93 : vector<16xi1>, vector<16xf32>
          %mul3A_103 = arith.constant 16 : i32
          %mul3A_104 = arith.muli %scan3A_89, %mul3A_103 : i32
          %swap3A = arith.index_cast %mul3A_104 : i32 to index
          %swap3A_105 = tpu.vector_load %arg5[%swap3A] {strides = array<i32>} : memref<100000xf32, #tpu.memory_space<vmem>>, vector<16xf32>,
          tpu.vector_store %arg5[%swap3A], %select_n3A_102 {strides = array<i32>} : memref<100000xf32, #tpu.memory_space<vmem>>, vector<16xf32>,
          %reduce_max3A_106 = arith.constant true
          %reduce_max3A_107 = vector.broadcast %reduce_max3A_106 : i1 to vector<16xi1>
          %reduce_max3A_108 = arith.constant -2147483648 : i32
          %reduce_max3A_109 = vector.broadcast %reduce_max3A_108 : i32 to vector<16xi32>
          %reduce_max3A_110 = arith.xori %masked_cumsum3A, %reduce_max3A_109 : vector<16xi32>
          %reduce_max3A_111 = tpu.scan <max>, %reduce_max3A_110 masked %reduce_max3A_107 : vector<16xi32>, vector<16xi1> -> vector<16xi32>
          %reduce_max3A_112 = arith.xori %reduce_max3A_111, %reduce_max3A_109 : vector<16xi32>
          %reduce_max3A_113 = vector.extract %reduce_max3A_112[15] : i32 from vector<16xi32>
          %broadcast_in_dim3A_114 = vector.broadcast %reduce_max3A_113 : i32 to vector<16xi32>
          %add3A_115 = arith.addi %scan3A_90, %broadcast_in_dim3A_114 : vector<16xi32>
          scf.yield %add3A_115 : vector<16xi32>
        }
        %scan3A_88 = arith.constant 6250 : i32
      } else {
      }
      "tpu.region"() ({
        %run_scoped3A = tpu.sem_alloc : memref<!tpu.dma_semaphore, #tpu.memory_space<semaphore_mem>>
        %dma_start3A = arith.constant 0 : i32
        %dma_start3A_83 = tpu.memref_slice %arg4[%add3A_9, %dma_start3A] : memref<128x100000xf32, #tpu.memory_space<hbm>> -> memref<1x100000xf32, #tpu.memory_space<hbm>>
        %dma_start3A_84 = tpu.memref_squeeze %dma_start3A_83 : memref<1x100000xf32, #tpu.memory_space<hbm>> -> memref<100000xf32, #tpu.memory_space<hbm>>
        %dma_start3A_85 = arith.constant 0 : i32
        %dma_start3A_86 = tpu.memref_slice %arg4[%add3A_9, %dma_start3A_85] : memref<128x100000xf32, #tpu.memory_space<hbm>> -> memref<1x100000xf32, #tpu.memory_space<hbm>>
        %dma_start3A_87 = tpu.memref_squeeze %dma_start3A_86 : memref<1x100000xf32, #tpu.memory_space<hbm>> -> memref<100000xf32, #tpu.memory_space<hbm>>
        tpu.enqueue_dma source(%arg5 : memref<100000xf32, #tpu.memory_space<vmem>>) target(%dma_start3A_87 : memref<100000xf32, #tpu.memory_space<hbm>>) target_semaphore(%run_scoped3A : memref<!tpu.dma_semaphore, #tpu.memory_space<semaphore_mem>>)
        %dma_wait3A = arith.constant 0 : i32
        %dma_wait3A_88 = tpu.memref_slice %arg4[%add3A_9, %dma_wait3A] : memref<128x100000xf32, #tpu.memory_space<hbm>> -> memref<1x100000xf32, #tpu.memory_space<hbm>>
        %dma_wait3A_89 = tpu.memref_squeeze %dma_wait3A_88 : memref<1x100000xf32, #tpu.memory_space<hbm>> -> memref<100000xf32, #tpu.memory_space<hbm>>
        %dma_wait3A_90 = arith.constant 0 : i32
        %dma_wait3A_91 = tpu.memref_slice %arg4[%add3A_9, %dma_wait3A_90] : memref<128x100000xf32, #tpu.memory_space<hbm>> -> memref<1x100000xf32, #tpu.memory_space<hbm>>
        %dma_wait3A_92 = tpu.memref_squeeze %dma_wait3A_91 : memref<1x100000xf32, #tpu.memory_space<hbm>> -> memref<100000xf32, #tpu.memory_space<hbm>>
        tpu.wait_dma2 semaphore(%run_scoped3A : memref<!tpu.dma_semaphore, #tpu.memory_space<semaphore_mem>>) src(%arg5 : memref<100000xf32, #tpu.memory_space<vmem>>) dst(%dma_wait3A_92 : memref<100000xf32, #tpu.memory_space<hbm>>)
        tpu.yield
      }) : () -> ()
    }
    %scan3A_5 = arith.constant 4 : i32
    return
  }
}

</mosaic_0001>

<sc_bundles>
// kernel: kernel.3.cloned.1.call-start
scs
__scs_entry_jumppad:
0x0: {  	(pc) =	sbr.rel $0x88, $3  }
0x1: {  	(tag) =	ssettag $0x0;
	lr =	simm.s32 $0x1  }
0x2: {  	[smem:$0x3FA0] =	sst lr;
	_ =	strace $0xD0000000  }
0x3: {  	_ = 	snop  }
0x4: {  	_ = 	snop  }
0x5: {  	_ = 	snop  }
0x6: {  	_ = 	snop  }
0x7: {  	_ = 	snop  }
__scs_overlays_trampoline_lowered:
0x8: {  	[smem:$0x3FAF] =	sst s0  }
0x9: {  	[smem:$0x3FB0] =	sst s1  }
0xa: {  	[smem:$0x3FB1] =	sst s2  }
0xb: {  	[smem:$0x3FB2] =	sst s3  }
0xc: {  	[smem:$0x3FB3] =	sst s4  }
0xd: {  	[smem:$0x3FB4] =	sst s5  }
0xe: {  	[smem:$0x3FB5] =	sst s6  }
0xf: {  	[smem:$0x3FB6] =	sst s7  }
0x10: {  	[smem:$0x3FB7] =	sst s8  }
0x11: {  	[smem:$0x3FB8] =	sst s9;
	s0 =	simm.s32 @!p0 $0x0  }
0x12: {  	s1 =	sld [smem:$0x3F9E];
	s0 =	simm.s32 @p0 $0x1  }
0x13: {  	[smem:$0x3FB9] =	sst s0;
	s0 =	simm.s32 @!p1 $0x0  }
0x14: {  	s2 =	sld [smem:$0x3F9D];
	s0 =	simm.s32 @p1 $0x1  }
0x15: {  	[smem:$0x3FBA] =	sst s0;
	s0 =	simm.s32 @!p2 $0x0  }
0x16: {  	s3 =	sld [smem:$0x3FDB];
	s0 =	simm.s32 @p2 $0x1  }
0x17: {  	s4 =	simm.s32 $0x1BF5;
	[smem:$0x3FBC] =	sst s0  }
0x18: {  	s0 =	sld [smem:$0x3F9F];
	_ =	swait.ge [sflag:s4], $0x0  }
0x19: {  	s7 =	sld [smem:$0x3FA0]  }
0x1a: {  	s8 =	sadd.s32 $0xFFFFE003, lr  }
0x1b: {  	s9 =	sadd.s32 $0xFFFFFEF7, lr;
	s5 =	simm.s32 $0xFFFFFFFF;
	p2 =	slt.u32 s8, $0xFFFFF086  }
0x1c: {  	p1 =	slt.u32 s9, $0xF7A;
	s5 =	simm.s32 @!p2 $0x0  }
0x1d: {  	s5 =	simm.s32 @p1 $0x1;
	p0 =	seq.s32 s7, s2  }
0x1e: {  	s7 =	smul.u32 @!p0 $0xF7A, s2;
	p2 =	seq.s32 @!p0 s5, $0x0  }
0x1f: {  	s9 =	smul.u32 $0xF7A, s1;
	s8 =	simm.s32 @!p0 $0x1BF5;
	p2 =	por !p2, p0  }
0x20: {  	[sflag:s8] =	ssyncset.s32 @!p0 $0xFFFFF086;
	s6 =	sadd.s32 @!p0 s3, s7;
	s7 =	simm.s32 @!p0 $0x108  }
0x21: {  	s3 =	sadd.s32 s3, s9;
	s6 =	sadd.s32 @!p0 $0x88, s6;
	s7 =	simm.s32 @p2 $0x1082  }
0x22: {  	[simem:s7], [sflag:s8] =	dma.local @!p0 [hbm:s6], $0xF7A  }
0x23: {  	s9 =	sor.u32 $0xD0000000, s2;
	s6 =	simm.s32 $0x108;
	_ =	swait.ge @!p0 [sflag:s8], $0x0  }
0x24: {  	s3 =	sadd.s32 $0x88, s3;
	s6 =	simm.s32 @!p1 $0x1082;
	[sflag:s4] =	ssyncset.s32 $0xFFFFF086  }
0x25: {  	[simem:s6], [sflag:s4] =	dma.local [hbm:s3], $0xF7A  }
0x26: {  	[smem:$0x3FA0] =	sst s1;
	(tag) =	ssettag s2;
	_ =	strace s9  }
0x27: {  	s1 =	sld [smem:$0x3FB0]  }
0x28: {  	s2 =	sld [smem:$0x3FB1]  }
0x29: {  	s4 =	sld [smem:$0x3FB3]  }
0x2a: {  	p0 =	seq.s32 s5, $0x0;
	s5 =	sld [smem:$0x3FB4]  }
0x2b: {  	s6 =	sld [smem:$0x3FB5]  }
0x2c: {  	s7 =	sld [smem:$0x3FB6]  }
0x2d: {  	s3 =	simm.s32 $0x108;
	s8 =	sld [smem:$0x3FB7]  }
0x2e: {  	s3 =	simm.s32 @!p0 $0x1082;
	s9 =	sld [smem:$0x3FB8]  }
0x2f: {  	lr =	sadd.s32 s0, s3;
	s0 =	sld [smem:$0x3FAF]  }
0x30: {  	s3 =	sld [smem:$0x3FB2]  }
0x31: {  	[smem:$0x3FBB] =	sst s10  }
0x32: {  	s10 =	sld [smem:$0x3FB9];
	_ =	sdelay $0x3  }
0x33: {  	p0 =	seq.s32 s10, $0x1;
	s10 =	sld [smem:$0x3FBB];
	_ =	sdelay $0x3  }
0x34: {  	[smem:$0x3FBB] =	sst s10  }
0x35: {  	s10 =	sld [smem:$0x3FBA];
	_ =	sdelay $0x3  }
0x36: {  	p1 =	seq.s32 s10, $0x1;
	s10 =	sld [smem:$0x3FBB];
	_ =	sdelay $0x3  }
0x37: {  	[smem:$0x3FBB] =	sst s10  }
0x38: {  	s10 =	sld [smem:$0x3FBC]  }
0x39: {  	_ = 	snop;
	(pc) =	sbr.ind lr, $3  }
0x3a: {  	_ = 	snop  }
0x3b: {  	_ = 	snop  }
0x3c: {  	p2 =	seq.s32 s10, $0x1;
	s10 =	sld [smem:$0x3FBB]  }
0x3d: {  	_ =	shalt  }
0x3e: {  	_ =	shalt  }
0x3f: {  	_ =	shalt  }
0x40: {  	_ =	shalt  }
0x41: {  	_ =	shalt  }
0x42: {  	_ =	shalt  }
0x43: {  	_ =	shalt  }
0x44: {  	_ =	shalt  }
0x45: {  	_ =	shalt  }
0x46: {  	_ =	shalt  }
0x47: {  	_ =	shalt  }
0x48: {  	_ =	shalt  }
0x49: {  	_ =	shalt  }
0x4a: {  	_ =	shalt  }
0x4b: {  	_ =	shalt  }
0x4c: {  	_ =	shalt  }
0x4d: {  	_ =	shalt  }
0x4e: {  	_ =	shalt  }
0x4f: {  	_ =	shalt  }
0x50: {  	_ =	shalt  }
0x51: {  	_ =	shalt  }
0x52: {  	_ =	shalt  }
0x53: {  	_ =	shalt  }
0x54: {  	_ =	shalt  }
0x55: {  	_ =	shalt  }
0x56: {  	_ =	shalt  }
0x57: {  	_ =	shalt  }
0x58: {  	_ =	shalt  }
0x59: {  	_ =	shalt  }
0x5a: {  	_ =	shalt  }
0x5b: {  	_ =	shalt  }
0x5c: {  	_ =	shalt  }
0x5d: {  	_ =	shalt  }
0x5e: {  	_ =	shalt  }
0x5f: {  	_ =	shalt  }
0x60: {  	_ =	shalt  }
0x61: {  	_ =	shalt  }
0x62: {  	_ =	shalt  }
0x63: {  	_ =	shalt  }
0x64: {  	_ =	shalt  }
0x65: {  	_ =	shalt  }
0x66: {  	_ =	shalt  }
0x67: {  	_ =	shalt  }
0x68: {  	_ =	shalt  }
0x69: {  	_ =	shalt  }
0x6a: {  	_ =	shalt  }
0x6b: {  	_ =	shalt  }
0x6c: {  	_ =	shalt  }
0x6d: {  	_ =	shalt  }
0x6e: {  	_ =	shalt  }
0x6f: {  	_ =	shalt  }
0x70: {  	_ =	shalt  }
0x71: {  	_ =	shalt  }
0x72: {  	_ =	shalt  }
0x73: {  	_ =	shalt  }
0x74: {  	_ =	shalt  }
0x75: {  	_ =	shalt  }
0x76: {  	_ =	shalt  }
0x77: {  	_ =	shalt  }
0x78: {  	_ =	shalt  }
0x79: {  	_ =	shalt  }
0x7a: {  	_ =	shalt  }
0x7b: {  	_ =	shalt  }
0x7c: {  	_ =	shalt  }
0x7d: {  	_ =	shalt  }
0x7e: {  	_ =	shalt  }
0x7f: {  	_ =	shalt  }
0x80: {  	_ =	shalt  }
0x81: {  	_ =	shalt  }
0x82: {  	_ =	shalt  }
0x83: {  	_ =	shalt  }
0x84: {  	_ =	shalt  }
0x85: {  	_ =	shalt  }
0x86: {  	_ =	shalt  }
0x87: {  	_ =	shalt  }
.Lfunc_end0:
.L_simem_size_0:
called_computation_lowered:
.L_overlay_start_0:
0x88: {  	s2 =	sld [smem:$0x3FD9]  }
0x89: {  	s3 =	sld [smem:$0x3FFE];
	_ =	sdelay $0x1  }
0x8a: {  	s1 =	srdreg.scid  }
0x8b: {  	s0 =	sand.u32 $0x1, s1  }
0x8c: {  	s14 =	sshll.u32 s0, $0xA;
	s2 =	sadd.s32 s3, s2  }
0x8d: {  	s2 =	sadd.s32 s2, s14  }
0x8e: {  	[smem:$0x3FC7] =	sst s2  }
0x8f: {  	_ = 	snop  }
0x90: {  	s2 =	sld [smem:$0x3FD0];
	_ =	sdelay $0x2  }
0x91: {  	s15 =	simm.s32 $0xA;
	s4 =	simm.s32 $0x10  }
0x92: {  	[smem:s4], [sflag:s15] =	dma.local [hbm:s2], $0x1  }
0x93: {  	_ =	swait.eq [sflag:s15], $0x1  }
0x94: {  	[sflag:s15] =	ssyncset.done $0x0  }
0x95: {  	[sflag:s15] =	ssyncadd.s32 $0xFFFFFFFF  }
0x96: {  	s16 =	sld [smem:$0x11];
	(tm) =	ssettm $0x1  }
0x97: {  	s17 =	sld [smem:$0x3FFB];
	_ =	sdelay $0x3  }
0x98: {  	_ =	strace s17  }
0x99: {  	s3 =	sld [smem:$0x3FFC];
	_ =	sdelay $0x3  }
0x9a: {  	_ =	strace s3  }
0x9b: {  	s3 =	sld [smem:$0x3FFD];
	_ =	sdelay $0x3  }
0x9c: {  	_ =	strace s3  }
0x9d: {  	_ =	strace $0x8FFFFFFF  }
0x9e: {  	s18 =	sld [smem:$0x3FDB];
	_ =	sdelay $0x1  }
0x9f: {  	s19 =	simm.s32 $_scs_section_size  }
0xa0: {  	s5 =	simm.s32 $_size__tile_overlayer_lowered;
	s6 =	simm.s32 $_tile_overlayer_lowered  }
0xa1: {  	s22 =	simm.s32 $0x1BFF;
	s21 =	sshll.u32 s6, $0x1;
	s3 =	sadd.s32 s19, s18  }
0xa2: {  	s7 =	simm.s32 $0x0;
	s20 =	sshll.u32 s5, $0x1;
	s5 =	sadd.s32 s21, s3  }
0xa3: {  	[timem:s7], [sflag:s22] =	dma.local [hbm:s5], s20  }
0xa4: {  	_ =	swait.ge [sflag:s22], s20  }
0xa5: {  	s4 =	ssub.s32 $0x0, s20;
	[sflag:s22] =	ssyncset.done $0x0  }
0xa6: {  	[sflag:s22] =	ssyncadd.s32 s4;
	_ =	sdelay $0x1  }
0xa7: {  	s23 =	simm.s32 $0x1B8B  }
0xa8: {  	_ =	swait.ge [sflag:s23], $0x1  }
0xa9: {  	[sflag:s23] =	ssyncset.done $0x0  }
0xaa: {  	s25 =	simm.s32 $0x1B8E;
	s24 =	sld [smem:$0x3FFE];
	[sflag:s23] =	ssyncadd.s32 $0xFFFFFFFF  }
0xab: {  	s26 =	simm.s32 $execute0_lowered;
	[smem:$0x3FD2] =	sst s25  }
0xac: {  	s5 =	sshll.u32 s26, $0x1;
	_ =	strace $0x80000046;
	[dreg:$0x1] =	wrdreg $0xFFFFFFFF  }
0xad: {  	s28 =	simm.s32 $_size_execute0_lowered;
	s3 =	sadd.s32 s3, s5;
	[dreg:$0x0] =	wrdreg $0x0  }
0xae: {  	s5 =	sshll.u32 s28, $0x1;
	[dreg:$0x2] =	wrdreg s3  }
0xaf: {  	[dreg:$0x3] =	wrdreg s5  }
0xb0: {  	[dreg:$0x4] =	wrdreg $0xC0  }
0xb1: {  	_ =	task [dreg:s7], $0x5FFFF  }
0xb2: {  	[dreg:$0x1] =	wrdreg $0xFFFFFFFF  }
0xb3: {  	[dreg:$0x0] =	wrdreg $0x60  }
0xb4: {  	[dreg:$0x2] =	wrdreg s24  }
0xb5: {  	[dreg:$0x3] =	wrdreg s16  }
0xb6: {  	[dreg:$0x4] =	wrdreg $0x9  }
0xb7: {  	_ =	task.clear_ibuf [dreg:s7], $0x5FFFF;
	_ =	strace $0x90000046  }
0xb8: {  	s29 =	simm.s32 $0x9;
	_ =	strace $0x80000048  }
0xb9: {  	_ =	swait.ge [sflag:s29], $0x1  }
0xba: {  	[sflag:s29] =	ssyncadd.s32 $0xFFFFFFFF  }
0xbb: {  	_ =	strace $0x90000048  }
0xbc: {  	_ =	sfence  }
0xbd: {  	s30 =	sld [smem:$0x0];
	_ =	sdelay $0x2  }
0xbe: {  	s31 =	sshll.u32 s1, $0xD;
	s1 =	sshrl.u32 s1, $0x2  }
0xbf: {  	s3 =	sand.u32 $0x4000, s31;
	s1 =	sadd.s32 s1, s30  }
0xc0: {  	s0 =	sor.u32 s3, s0;
	s1 =	sshll.u32 s1, $0x11  }
0xc1: {  	s0 =	sor.u32 s1, s0  }
0xc2: {  	s0 =	sadd.s32 $0x8F2B, s0  }
0xc3: {  	[sflag:s0] =	ssyncadd.remote.s32 $0x1  }
0xc4: {  	_ =	sfence.sel $0xFFFF  }
0xc5: {  	[dreg:$0x0] =	wrdreg $0xFFFFFFFF;
	(pc) =	sbr.abs _section_cstart, $3  }
0xc6: {  	[dreg:$0x1] =	wrdreg $0xFFFFFFFF  }
0xc7: {  	_ =	task.clear_ibuf [dreg:s7], $0x2FFFF;
	_ =	strace $0x9FFFFFFF  }
0xc8: {  	(tm) =	ssettm $0x7FFFFFFF  }
0xc9: {  	_ =	shalt  }
tec
execute0_lowered:
.L_overlay_start_1:
0x0: {  	(tag) =	ssettag $0x1  }
0x1: {  	s1 =	rddreg [dreg:$0x0]  }
0x2: {  	s2 =	rddreg [dreg:$0x1];
	s3 =	simm.s32 $0x0  }
0x3: {  	[smem:$0x7FF] =	sst s3  }
0x4: {  	s0 =	rddreg [dreg:$0x2];
	v0 =	vimm.f32 $1.299999950e+00;
	_ =	strace $0x80000047  }
0x5: {  	(erf) = vrcp.f32 v0;
	_ =	sdelay $0x2  }
0x6: {  	s4 =	srdreg.scid  }
0x7: {  	s10 =	simm.s32 $0x80;
	s11 =	simm.s32 $0x400;
	s12 =	simm.s32 $0x18700  }
.Ltmp0:
0x8: {  	s6 =	sand.u32 $0x1, s4;
	s4 =	stileid.u32;
	(pc) =	sbr.rel .LBB2_1-.Ltmp0, $4  }
0x9: {  	s13 =	simm.s32 $0x1CB00;
	s7 =	ssub.s32 $0x2, s6;
	s9 =	smul.u32 $0xC3800, s4;
	v0 =	vlaneseq.u32  }
0xa: {  	v1 =	vimm.s32 $0x0;
	s14 =	simm.s32 $0x0;
	s6 =	sshll.u32 s6, $0x9;
	s8 =	sshrl.u32 s7, $0x1;
	v4 =	vmul.u32 $0xFFFFFFFF, v0  }
0xb: {  	v3 =	vimm.s32 $0x1;
	v6 =	vimm.f32 $0.0e+00;
	s5 =	sadd.s32 $0x187000, s1;
	s7 =	ssub.s32 s7, s8;
	s6 =	sor.u32 s9, s6;
	v2 =	vmul.u32 $0x400, v0  }
0xc: {  	vm10 =	vmxor vm10, vm10;
	v7 =	vimm.f32 $-Inf;
	s8 =	simm.s32 $0x1DB00;
	s9 =	simm.s32 $0x1;
	s7 =	smax.u32 s7, $0x1;
	v4 =	vadd.s32 $0xF, v4;
	v5 =	vpop (erf)  }
.LBB2_35:
0xd: {  	s14 =	sadd.s32 $0x1, s14  }
0xe: {  	p0 =	sne.s32 s14, s7  }
.Ltmp1:
0xf: {  	_ = 	snop;
	(pc) =	sbr.rel @!p0 .LBB2_36-.Ltmp1, $1  }
0x10: {  	_ =	sdelay $0x3  }
.LBB2_1:
.Ltmp2:
0x11: {  	(pc) =	sbr.rel .LBB2_2-.Ltmp2, $4  }
0x12: {  	[tilespmem:s8], [sflag:$0x1] =	stream.linear.gather [hbm4b:s2+s3], $0x80, $0x38;
	[tilespmem:$0x1DB80] =	vst v63  }
0x13: {  	_ =	swait.ge [sflag:s9], $0x80  }
0x14: {  	[sflag:s9] =	ssyncset.done $0x0  }
0x15: {  	s15 =	simm.s32 $0x0;
	[sflag:s9] =	ssyncadd.s32 $0xFFFFFF80  }
.LBB2_34:
0x16: {  	s15 =	sadd.s32 $0x1, s15  }
0x17: {  	p0 =	sne.s32 s15, $0x4  }
.Ltmp3:
0x18: {  	s16 =	sadd.s32 s5, s16;
	(pc) =	sbr.rel @!p0 .LBB2_35-.Ltmp3, $4  }
0x19: {  	[hbm4b:s16+s10] =	stream.strided.scatter [tilespmem:s3], [sflag:$0x1], $0x18700, s11, s10, $0x38;
	[tilespmem:$0x1DB80] =	vst v63  }
0x1a: {  	_ =	swait.ge [sflag:s9], $0x18700  }
0x1b: {  	[sflag:s9] =	ssyncset.done $0x0  }
0x1c: {  	[sflag:s9] =	ssyncadd.s32 $0xFFFE7900  }
.LBB2_2:
0x1d: {  	s16 =	sshll.u32 s15, $0x7  }
0x1e: {  	s16 =	sadd.s32 s6, s16  }
0x1f: {  	s16 =	sshrl.u32 s16, $0x3  }
0x20: {  	s17 =	sadd.s32 s1, s16  }
0x21: {  	[tilespmem:s3], [sflag:$0x1] =	stream.strided.gather [hbm4b:s17+s10], $0x18700, s11, s10, $0x38;
	[tilespmem:$0x1DB80] =	vst v63  }
0x22: {  	_ =	swait.ge [sflag:s9], $0x18700  }
0x23: {  	[sflag:s9] =	ssyncset.done $0x0  }
0x24: {  	s19 =	simm.s32 $0x18740;
	[sflag:s9] =	ssyncadd.s32 $0xFFFE7900  }
0x25: {  	[tilespmem:s19+$0xFFFFFFC0] =	vst v1  }
0x26: {  	[tilespmem:s19+$0x30] =	vst v1  }
0x27: {  	[tilespmem:s19+$0x20] =	vst v1  }
0x28: {  	[tilespmem:s19+$0x10] =	vst v1  }
0x29: {  	[tilespmem:s19+$0x0] =	vst v1  }
0x2a: {  	[tilespmem:s19+$0xFFFFFFF0] =	vst v1  }
0x2b: {  	s20 =	simm.s32 $0x0;
	s17 =	simm.s32 $0x50;
	[tilespmem:s19+$0xFFFFFFE0] =	vst v1  }
.LBB2_3:
0x2c: {  	s20 =	sadd.s32 $0x8, s20;
	[tilespmem:s19+$0xFFFFFFD0] =	vst v1;
	s19 =	sadd.s32 $0x80, s19  }
0x2d: {  	[tilespmem:s19+$0xFFFFFFC0] =	vst v1;
	p0 =	slt.u32 s20, $0x3F8  }
0x2e: {  	[tilespmem:s19+$0x30] =	vst v1  }
.Ltmp4:
0x2f: {  	[tilespmem:s19+$0x20] =	vst v1;
	(pc) =	sbr.rel @p0 .LBB2_3-.Ltmp4, $4  }
0x30: {  	[tilespmem:s19+$0x10] =	vst v1  }
0x31: {  	[tilespmem:s19+$0x0] =	vst v1  }
0x32: {  	[tilespmem:s19+$0xFFFFFFF0] =	vst v1  }
0x33: {  	s18 =	simm.s32 $0x0;
	[tilespmem:s19+$0xFFFFFFE0] =	vst v1  }
0x34: {  	[tilespmem:s19+$0xFFFFFFD0] =	vst v1  }
0x35: {  	s31 =	sand.u32 $0x1FFE0, s18;
	v8 =	vld [tilespmem:s17+$0x40]  }
0x36: {  	v9 =	vld [tilespmem:s31+$0x80]  }
0x37: {  	v10 =	vld [tilespmem:s17+$0xFFFFFFC0]  }
0x38: {  	v12 =	vld [tilespmem:s17+$0xFFFFFFE0]  }
0x39: {  	v15 =	vld [tilespmem:s17+$0x0]  }
0x3a: {  	v19 =	vld [tilespmem:s17+$0x20];
	_ =	sdelay $0x2  }
0x3b: {  	v11 =	vld [tilespmem:s17+$0xFFFFFFD0]  }
0x3c: {  	v14 =	vshra.s32 v8, $0x1F;
	v16 =	vshra.s32 v9, $0x1F;
	v17 =	vshra.s32 v10, $0x1F  }
0x3d: {  	v20 =	vshra.s32 v12, $0x1F;
	v23 =	vshra.s32 v15, $0x1F;
	v24 =	vshra.s32 v19, $0x1F  }
0x3e: {  	v13 =	vld [tilespmem:s17+$0xFFFFFFF0];
	v14 =	vor.u32 $0x80000000, v14;
	v16 =	vor.u32 $0x80000000, v16;
	v20 =	vor.u32 $0x80000000, v20  }
0x3f: {  	v18 =	vld [tilespmem:s17+$0x10];
	v23 =	vor.u32 $0x80000000, v23;
	v8 =	vxor.u32 v8, v14;
	v9 =	vxor.u32 v9, v16  }
0x40: {  	v14 =	vshra.s32 v11, $0x1F;
	v16 =	vld [tilespmem:s17+$0xFFFFFFB0];
	v8 =	vshrl.u32 v8, $0x16;
	v9 =	vshrl.u32 v9, $0x16  }
0x41: {  	v14 =	vor.u32 $0x80000000, v14;
	v21 =	vand.u32 $0x380, v8;
	v22 =	vand.u32 $0x380, v9  }
0x42: {  	v8 =	vand.u32 $0x7F, v8;
	v9 =	vand.u32 $0x7F, v9;
	v21 =	vor.u32 v2, v21  }
0x43: {  	v22 =	vor.u32 v2, v22;
	v21 =	vor.u32 v8, v21;
	v8 =	vshra.s32 v13, $0x1F  }
0x44: {  	v22 =	vor.u32 v9, v22;
	v9 =	vor.u32 $0x80000000, v17;
	v17 =	vshra.s32 v18, $0x1F  }
0x45: {  	v25 =	vshra.s32 v16, $0x1F;
	v26 =	vor.u32 $0x80000000, v8;
	v9 =	vxor.u32 v10, v9  }
0x46: {  	v10 =	vxor.u32 v11, v14;
	v11 =	vxor.u32 v12, v20;
	v20 =	vxor.u32 v15, v23  }
0x47: {  	v25 =	vor.u32 $0x80000000, v25;
	v12 =	vxor.u32 v13, v26;
	v13 =	vshrl.u32 v9, $0x16  }
0x48: {  	v15 =	vshrl.u32 v10, $0x16;
	v14 =	vshrl.u32 v11, $0x16;
	v11 =	vshrl.u32 v20, $0x16  }
0x49: {  	v8 =	vxor.u32 v16, v25;
	v16 =	vor.u32 $0x80000000, v17;
	v17 =	vor.u32 $0x80000000, v24  }
0x4a: {  	v12 =	vshrl.u32 v12, $0x16;
	v20 =	vand.u32 $0x380, v14;
	v63 =	vand.u32 $0x380, v11  }
0x4b: {  	v8 =	vshrl.u32 v8, $0x16;
	v9 =	vxor.u32 v18, v16;
	v16 =	vxor.u32 v19, v17  }
0x4c: {  	v18 =	vand.u32 $0x380, v13;
	v19 =	vand.u32 $0x380, v15;
	v62 =	vand.u32 $0x380, v12  }
0x4d: {  	v10 =	vshrl.u32 v9, $0x16;
	v9 =	vshrl.u32 v16, $0x16;
	v16 =	vand.u32 $0x380, v8;
	[tilespmem:v21+s12+$0x0] =	vst.idx.add.s32.msk $0xffff, v3  }
0x4e: {  	v23 =	vor.u32 v2, v18;
	v21 =	vor.u32 v2, v19;
	v18 =	vor.u32 v2, v20  }
0x4f: {  	s20 =	simm.s32 $0x0;
	s19 =	simm.s32 $0x1A710;
	v20 =	vor.u32 v2, v62;
	v17 =	vor.u32 v2, v16;
	v16 =	vand.u32 $0x380, v10  }
0x50: {  	s21 =	simm.s32 $0xA0;
	s22 =	simm.s32 $0xF0;
	s17 =	simm.s32 $0x1C710;
	[tilespmem:v22+s12+$0x0] =	vst.idx.add.s32.msk $0xffff, v3;
	v19 =	vor.u32 v2, v63;
	v22 =	vand.u32 $0x380, v9;
	v16 =	vor.u32 v2, v16  }
.LBB2_5:
0x51: {  	s23 =	sand.u32 $0x1FFE0, s21;
	v24 =	vld [tilespmem:s22+$0x40];
	s20 =	sadd.s32 $0xA, s20;
	v8 =	vand.u32 $0x7F, v8;
	v13 =	vand.u32 $0x7F, v13;
	v22 =	vor.u32 v2, v22  }
0x52: {  	v15 =	vand.u32 $0x7F, v15;
	v14 =	vand.u32 $0x7F, v14;
	v12 =	vand.u32 $0x7F, v12;
	v25 =	vld [tilespmem:s23+$0x80];
	p0 =	slt.u32 s20, $0x1860  }
0x53: {  	v11 =	vand.u32 $0x7F, v11;
	v10 =	vand.u32 $0x7F, v10;
	v9 =	vand.u32 $0x7F, v9;
	v26 =	vld [tilespmem:s22+$0xFFFFFFC0]  }
0x54: {  	v8 =	vor.u32 v8, v17;
	v13 =	vor.u32 v13, v23;
	v15 =	vor.u32 v15, v21;
	v27 =	vld [tilespmem:s22+$0xFFFFFFD0]  }
0x55: {  	v14 =	vor.u32 v14, v18;
	v12 =	vor.u32 v12, v20;
	v11 =	vor.u32 v11, v19;
	v17 =	vld [tilespmem:s22+$0xFFFFFFE0]  }
0x56: {  	v10 =	vor.u32 v10, v16;
	v9 =	vor.u32 v9, v22;
	v18 =	vld [tilespmem:s22+$0xFFFFFFF0];
	v19 =	vshra.s32 v24, $0x1F  }
0x57: {  	v16 =	vld [tilespmem:s22+$0x0];
	v20 =	vshra.s32 v25, $0x1F;
	v19 =	vor.u32 $0x80000000, v19  }
0x58: {  	v21 =	vshra.s32 v26, $0x1F;
	v22 =	vld [tilespmem:s22+$0x10];
	v20 =	vor.u32 $0x80000000, v20;
	v19 =	vxor.u32 v24, v19  }
0x59: {  	v23 =	vshra.s32 v27, $0x1F;
	v24 =	vld [tilespmem:s22+$0x20];
	v20 =	vxor.u32 v25, v20;
	v19 =	vshrl.u32 v19, $0x16  }
0x5a: {  	v25 =	vld [tilespmem:s22+$0xFFFFFFB0];
	v28 =	vshra.s32 v17, $0x1F;
	v20 =	vshrl.u32 v20, $0x16;
	v29 =	vand.u32 $0x380, v19  }
0x5b: {  	v19 =	vand.u32 $0x7F, v19;
	v30 =	vand.u32 $0x380, v20;
	v29 =	vor.u32 v2, v29;
	[tilespmem:v8+s12+$0x0] =	vst.idx.add.s32.msk $0xffff, v3  }
0x5c: {  	v8 =	vand.u32 $0x7F, v20;
	v20 =	vor.u32 v2, v30;
	v19 =	vor.u32 v19, v29;
	[tilespmem:v13+s12+$0x0] =	vst.idx.add.s32.msk $0xffff, v3  }
0x5d: {  	v13 =	vshra.s32 v18, $0x1F;
	v29 =	vshra.s32 v16, $0x1F;
	v20 =	vor.u32 v8, v20;
	[tilespmem:v15+s12+$0x0] =	vst.idx.add.s32.msk $0xffff, v3  }
0x5e: {  	v15 =	vor.u32 $0x80000000, v21;
	v8 =	vshra.s32 v22, $0x1F;
	v21 =	vshra.s32 v24, $0x1F;
	[tilespmem:v14+s12+$0x0] =	vst.idx.add.s32.msk $0xffff, v3  }
0x5f: {  	v23 =	vor.u32 $0x80000000, v23;
	v28 =	vor.u32 $0x80000000, v28;
	v14 =	vshra.s32 v25, $0x1F;
	[tilespmem:v12+s12+$0x0] =	vst.idx.add.s32.msk $0xffff, v3  }
0x60: {  	v13 =	vor.u32 $0x80000000, v13;
	v12 =	vor.u32 $0x80000000, v14;
	v14 =	vor.u32 $0x80000000, v29;
	[tilespmem:v11+s12+$0x0] =	vst.idx.add.s32.msk $0xffff, v3  }
0x61: {  	v21 =	vor.u32 $0x80000000, v21;
	v11 =	vxor.u32 v25, v12;
	v12 =	vor.u32 $0x80000000, v8;
	[tilespmem:v19+s12+$0x0] =	vst.idx.add.s32.msk $0xffff, v3  }
0x62: {  	v8 =	vshrl.u32 v11, $0x16;
	v11 =	vxor.u32 v26, v15;
	v15 =	vxor.u32 v27, v23;
	[tilespmem:v20+s12+$0x0] =	vst.idx.add.s32.msk $0xffff, v3  }
0x63: {  	v17 =	vxor.u32 v17, v28;
	v18 =	vxor.u32 v18, v13;
	v16 =	vxor.u32 v16, v14  }
0x64: {  	v19 =	vxor.u32 v22, v12;
	v20 =	vxor.u32 v24, v21;
	v13 =	vshrl.u32 v11, $0x16;
	[tilespmem:v10+s12+$0x0] =	vst.idx.add.s32.msk $0xffff, v3  }
0x65: {  	v14 =	vshrl.u32 v17, $0x16;
	v12 =	vshrl.u32 v18, $0x16;
	v15 =	vshrl.u32 v15, $0x16;
	[tilespmem:v9+s12+$0x0] =	vst.idx.add.s32.msk $0xffff, v3  }
0x66: {  	v11 =	vshrl.u32 v16, $0x16;
	v10 =	vshrl.u32 v19, $0x16;
	v9 =	vshrl.u32 v20, $0x16  }
.Ltmp5:
0x67: {  	v16 =	vand.u32 $0x380, v8;
	v18 =	vand.u32 $0x380, v13;
	v19 =	vand.u32 $0x380, v15;
	(pc) =	sbr.rel @p0 .LBB2_5-.Ltmp5, $4  }
0x68: {  	v24 =	vand.u32 $0x380, v12;
	v25 =	vand.u32 $0x380, v11;
	v20 =	vand.u32 $0x380, v14  }
0x69: {  	v17 =	vor.u32 v2, v16;
	v16 =	vand.u32 $0x380, v10;
	v22 =	vand.u32 $0x380, v9  }
0x6a: {  	v23 =	vor.u32 v2, v18;
	v21 =	vor.u32 v2, v19;
	v18 =	vor.u32 v2, v20  }
0x6b: {  	s21 =	sadd.s32 $0xA0, s21;
	s22 =	sadd.s32 $0xA0, s22;
	v19 =	vor.u32 v2, v25;
	v20 =	vor.u32 v2, v24;
	v16 =	vor.u32 v2, v16  }
0x6c: {  	v8 =	vand.u32 $0x7F, v8  }
0x6d: {  	v13 =	vand.u32 $0x7F, v13;
	v8 =	vor.u32 v8, v17  }
0x6e: {  	v15 =	vand.u32 $0x7F, v15;
	v13 =	vor.u32 v13, v23  }
0x6f: {  	v14 =	vand.u32 $0x7F, v14;
	v15 =	vor.u32 v15, v21  }
0x70: {  	v12 =	vand.u32 $0x7F, v12;
	v14 =	vor.u32 v14, v18  }
0x71: {  	v11 =	vand.u32 $0x7F, v11;
	v12 =	vor.u32 v12, v20  }
0x72: {  	v10 =	vand.u32 $0x7F, v10;
	v11 =	vor.u32 v11, v19;
	[tilespmem:v8+s12+$0x0] =	vst.idx.add.s32.msk $0xffff, v3  }
0x73: {  	v9 =	vand.u32 $0x7F, v9;
	v10 =	vor.u32 v10, v16;
	v8 =	vor.u32 v2, v22;
	[tilespmem:v13+s12+$0x0] =	vst.idx.add.s32.msk $0xffff, v3  }
0x74: {  	[tilespmem:v15+s12+$0x0] =	vst.idx.add.s32.msk $0xffff, v3;
	v8 =	vor.u32 v9, v8  }
0x75: {  	[tilespmem:v14+s12+$0x0] =	vst.idx.add.s32.msk $0xffff, v3  }
0x76: {  	[tilespmem:v12+s12+$0x0] =	vst.idx.add.s32.msk $0xffff, v3  }
0x77: {  	[tilespmem:v11+s12+$0x0] =	vst.idx.add.s32.msk $0xffff, v3  }
0x78: {  	[tilespmem:v10+s12+$0x0] =	vst.idx.add.s32.msk $0xffff, v3  }
0x79: {  	[tilespmem:v8+s12+$0x0] =	vst.idx.add.s32.msk $0xffff, v3  }
0x7a: {  	s18 =	sand.u32 $0x3E0, s18;
	v8 =	vld [tilespmem:s19+$0xFFFFDFF0]  }
0x7b: {  	v9 =	vld [tilespmem:s18+$0x18B00]  }
0x7c: {  	v10 =	vld [tilespmem:s18+$0x18F00]  }
0x7d: {  	v11 =	vld [tilespmem:s18+$0x19300]  }
0x7e: {  	v12 =	vld [tilespmem:s18+$0x19700]  }
0x7f: {  	v13 =	vld [tilespmem:s18+$0x19B00]  }
0x80: {  	v14 =	vld [tilespmem:s18+$0x19F00]  }
0x81: {  	v15 =	vld [tilespmem:s18+$0x1A300]  }
0x82: {  	v56 =	vld [tilespmem:s18+$0x1A700]  }
0x83: {  	v57 =	vld [tilespmem:s18+$0x1AB00]  }
0x84: {  	v58 =	vld [tilespmem:s18+$0x1AF00]  }
0x85: {  	v59 =	vld [tilespmem:s18+$0x1B300]  }
0x86: {  	v60 =	vld [tilespmem:s18+$0x1B700]  }
0x87: {  	v61 =	vld [tilespmem:s18+$0x1BB00]  }
0x88: {  	v62 =	vld [tilespmem:s18+$0x1BF00]  }
0x89: {  	v63 =	vld [tilespmem:s18+$0x1C300]  }
0x8a: {  	v8 =	vadd.s32 v8, v9;
	v9 =	vld [tilespmem:s19+$0xFFFFE000]  }
0x8b: {  	v8 =	vadd.s32 v10, v8;
	v10 =	vld [tilespmem:s19+$0xFFFFE400]  }
0x8c: {  	v8 =	vadd.s32 v11, v8;
	v11 =	vld [tilespmem:s19+$0xFFFFE800]  }
0x8d: {  	v8 =	vadd.s32 v12, v8;
	v12 =	vld [tilespmem:s19+$0xFFFFEC00]  }
0x8e: {  	v8 =	vadd.s32 v13, v8;
	v13 =	vld [tilespmem:s19+$0xFFFFF000]  }
0x8f: {  	v8 =	vadd.s32 v14, v8;
	v14 =	vld [tilespmem:s19+$0xFFFFF400]  }
0x90: {  	v8 =	vadd.s32 v15, v8;
	v9 =	vadd.s32 v9, v10;
	v10 =	vld [tilespmem:s19+$0xFFFFF800]  }
0x91: {  	v8 =	vadd.s32 v56, v8;
	v9 =	vadd.s32 v11, v9;
	v11 =	vld [tilespmem:s19+$0xFFFFFC00]  }
0x92: {  	v8 =	vadd.s32 v57, v8;
	v9 =	vadd.s32 v12, v9;
	v12 =	vld [tilespmem:s19+$0x0]  }
0x93: {  	v8 =	vadd.s32 v58, v8;
	v9 =	vadd.s32 v13, v9;
	v13 =	vld [tilespmem:s19+$0x400]  }
0x94: {  	v8 =	vadd.s32 v59, v8;
	v9 =	vadd.s32 v14, v9;
	v14 =	vld [tilespmem:s19+$0x800]  }
0x95: {  	v8 =	vadd.s32 v60, v8;
	v10 =	vadd.s32 v10, v9;
	v9 =	vld [tilespmem:s19+$0xC00]  }
0x96: {  	v8 =	vadd.s32 v61, v8;
	v11 =	vadd.s32 v11, v10;
	v10 =	vld [tilespmem:s19+$0x1000]  }
0x97: {  	v8 =	vadd.s32 v62, v8;
	v12 =	vadd.s32 v12, v11;
	v11 =	vld [tilespmem:s19+$0x1400]  }
0x98: {  	s20 =	simm.s32 $0x0;
	v8 =	vadd.s32 v63, v8;
	v13 =	vadd.s32 v13, v12;
	v12 =	vld [tilespmem:s19+$0x1800]  }
0x99: {  	s21 =	simm.s32 $0x20;
	s18 =	simm.s32 $0x1CAF0;
	[tilespmem:s17+$0xFFFFFFF0] =	vst v8;
	v14 =	vadd.s32 v14, v13;
	v13 =	vld [tilespmem:s19+$0x1C00];
	s19 =	simm.s32 $0x1A730  }
.LBB2_7:
0x9a: {  	v8 =	vld [tilespmem:s19+$0xFFFFDFF0];
	s22 =	sand.u32 $0x3E0, s21;
	s20 =	sadd.s32 $0x2, s20;
	v9 =	vadd.s32 v9, v14  }
0x9b: {  	v14 =	vld [tilespmem:s22+$0x18B00];
	p0 =	slt.u32 s20, $0x3E;
	v9 =	vadd.s32 v10, v9  }
0x9c: {  	v10 =	vld [tilespmem:s22+$0x18F00];
	v9 =	vadd.s32 v11, v9  }
0x9d: {  	v11 =	vld [tilespmem:s22+$0x19300];
	v9 =	vadd.s32 v12, v9  }
0x9e: {  	v12 =	vld [tilespmem:s22+$0x19700];
	v9 =	vadd.s32 v13, v9  }
0x9f: {  	v13 =	vld [tilespmem:s22+$0x19B00];
	[tilespmem:s17+$0x0] =	vst v9  }
0xa0: {  	v8 =	vadd.s32 v8, v14;
	v9 =	vld [tilespmem:s22+$0x19F00]  }
0xa1: {  	v8 =	vadd.s32 v10, v8;
	v10 =	vld [tilespmem:s22+$0x1A300]  }
0xa2: {  	v8 =	vadd.s32 v11, v8;
	v11 =	vld [tilespmem:s22+$0x1A700]  }
0xa3: {  	v8 =	vadd.s32 v12, v8;
	v12 =	vld [tilespmem:s22+$0x1AB00]  }
0xa4: {  	v8 =	vadd.s32 v13, v8;
	v13 =	vld [tilespmem:s22+$0x1AF00]  }
0xa5: {  	v8 =	vadd.s32 v9, v8;
	v9 =	vld [tilespmem:s22+$0x1B300]  }
0xa6: {  	v8 =	vadd.s32 v10, v8;
	v10 =	vld [tilespmem:s22+$0x1B700]  }
0xa7: {  	v8 =	vadd.s32 v11, v8;
	v11 =	vld [tilespmem:s22+$0x1BB00]  }
0xa8: {  	v8 =	vadd.s32 v12, v8;
	v12 =	vld [tilespmem:s22+$0x1BF00]  }
0xa9: {  	v8 =	vadd.s32 v13, v8;
	v13 =	vld [tilespmem:s22+$0x1C300]  }
0xaa: {  	v8 =	vadd.s32 v9, v8;
	v9 =	vld [tilespmem:s19+$0xFFFFE000]  }
0xab: {  	v8 =	vadd.s32 v10, v8;
	v10 =	vld [tilespmem:s19+$0xFFFFE400]  }
0xac: {  	v8 =	vadd.s32 v11, v8;
	v11 =	vld [tilespmem:s19+$0xFFFFE800]  }
0xad: {  	v8 =	vadd.s32 v12, v8;
	v12 =	vld [tilespmem:s19+$0xFFFFEC00]  }
0xae: {  	s17 =	sadd.s32 $0x20, s17;
	v8 =	vadd.s32 v13, v8;
	v13 =	vld [tilespmem:s19+$0xFFFFF000]  }
0xaf: {  	s22 =	simm.s32 $0x0;
	[tilespmem:s17+$0xFFFFFFF0] =	vst v8;
	v14 =	vld [tilespmem:s19+$0xFFFFF400];
	v8 =	vimm.s32 $0x0  }
0xb0: {  	v9 =	vadd.s32 v9, v10;
	v10 =	vld [tilespmem:s19+$0xFFFFF800]  }
0xb1: {  	v9 =	vadd.s32 v11, v9;
	v11 =	vld [tilespmem:s19+$0xFFFFFC00]  }
0xb2: {  	v9 =	vadd.s32 v12, v9;
	v12 =	vld [tilespmem:s19+$0x0]  }
0xb3: {  	v9 =	vadd.s32 v13, v9;
	v13 =	vld [tilespmem:s19+$0x400]  }
0xb4: {  	v9 =	vadd.s32 v14, v9;
	v14 =	vld [tilespmem:s19+$0x800]  }
.Ltmp6:
0xb5: {  	v10 =	vadd.s32 v10, v9;
	v9 =	vld [tilespmem:s19+$0xC00];
	(pc) =	sbr.rel @p0 .LBB2_7-.Ltmp6, $4  }
0xb6: {  	v11 =	vadd.s32 v11, v10;
	v10 =	vld [tilespmem:s19+$0x1000]  }
0xb7: {  	v12 =	vadd.s32 v12, v11;
	v11 =	vld [tilespmem:s19+$0x1400]  }
0xb8: {  	v13 =	vadd.s32 v13, v12;
	v12 =	vld [tilespmem:s19+$0x1800]  }
0xb9: {  	s21 =	sadd.s32 $0x20, s21;
	v14 =	vadd.s32 v14, v13;
	v13 =	vld [tilespmem:s19+$0x1C00];
	s19 =	sadd.s32 $0x20, s19  }
0xba: {  	v9 =	vadd.s32 v9, v14  }
0xbb: {  	v9 =	vadd.s32 v10, v9  }
0xbc: {  	v9 =	vadd.s32 v11, v9  }
0xbd: {  	v9 =	vadd.s32 v12, v9  }
0xbe: {  	v9 =	vadd.s32 v13, v9  }
0xbf: {  	[tilespmem:s17+$0x0] =	vst v9  }
0xc0: {  	v9 =	vld [tilespmem:s18+$0x0];
	_ =	sdelay $0x4  }
0xc1: {  	v9 =	vperm.xlane v9, v4;
	_ =	sdelay $0x1  }
0xc2: {  	(xrf0) =	vadd.scan.msk.s32 $0xffff, v9;
	_ =	sdelay $0x5  }
0xc3: {  	v9, _, _ =	vpop (xrf0)  }
0xc4: {  	v9 =	vadd.s32 v8, v9  }
0xc5: {  	vm0 =	vgt.s32 v9, $0x61;
	v9 =	vxor.u32 $0x80000000, v9  }
0xc6: {  	v10 =	vsel vm0, $0x3F800000, v6;
	(xrf0) =	vmax.scan.msk.u32 $0xffff, v9  }
0xc7: {  	(xrf0) =	vmax.scan.msk.f32 $0xffff, v10;
	_ =	sdelay $0x1  }
0xc8: {  	v9 =	vmov s22  }
0xc9: {  	v9 =	vsub.s32 $0x3FF, v9  }
0xca: {  	v10 =	vmctz.xlane vm0;
	v9 =	vbroadcast v9, $0x0  }
0xcb: {  	vm1 =	veq.s32 v8, $0x0;
	v63, _, _ =	vpop (xrf0)  }
0xcc: {  	s19 =	simm.s32 $0x20;
	s17 =	simm.s32 $0x10;
	v9 =	vsub.s32 v9, v10;
	v10 =	vimm.s32 $0x0;
	v11, _, _ =	vpop (xrf0);
	(v2sf) =	vpush v63, $0xF  }
.LBB2_9:
0xcd: {  	p0 =	sne.s32 s19, $0x3F0;
	(v2sf) =	vpush v11, $0xF;
	_ =	sdelay $0x1  }
0xce: {  	s18 =	sadd.s32 $0xFFFFFFF0, s18  }
0xcf: {  	v11 =	vld [tilespmem:s18+$0x0];
	_ =	sdelay $0x4  }
0xd0: {  	v11 =	vperm.xlane v11, v4;
	_ =	sdelay $0x1  }
0xd1: {  	(xrf0) =	vadd.scan.msk.s32 $0xffff, v11;
	_ =	sdelay $0x3  }
0xd2: {  	s20 =	spop (v2sf)  }
0xd3: {  	v11 =	vmov s17;
	s17 =	smov.u32 s19;
	s20 =	sxor.u32 $0x80000000, s20;
	s21 =	spop (v2sf)  }
0xd4: {  	v11 =	vsub.s32 $0x3FF, v11;
	v12, _, _ =	vpop (xrf0);
	p1 =	sgt.f32 s21, $0.0e+00;
	v13 =	vmov s20  }
0xd5: {  	v11 =	vbroadcast v11, $0x0;
	v12 =	vadd.s32 v13, v12  }
0xd6: {  	vm0 =	vgt.s32 v12, $0x61;
	v12 =	vxor.u32 $0x80000000, v12;
	v8 =	vpsel p1, $0x1, v8  }
0xd7: {  	v13 =	vsel vm0, $0x3F800000, v6;
	v14 =	vmctz.xlane vm0;
	vm0 =	vmmov vm10  }
0xd8: {  	(xrf0) =	vmax.scan.msk.u32 $0xffff, v12;
	vm0 =	vmneg @p1 vm0  }
0xd9: {  	(xrf0) =	vmax.scan.msk.f32 $0xffff, v13;
	vm0 =	vmand vm1, vm0;
	vm1 =	veq.s32 v8, $0x0  }
0xda: {  	v10 =	vsel vm0, v9, v10;
	v9 =	vsub.s32 v11, v14  }
.Ltmp7:
0xdb: {  	(pc) =	sbr.rel @p0 .LBB2_9-.Ltmp7, $3  }
0xdc: {  	_ =	sdelay $0x1  }
0xdd: {  	v12, _, _ =	vpop (xrf0)  }
0xde: {  	s19 =	sadd.s32 $0x10, s19;
	v11, _, _ =	vpop (xrf0);
	(v2sf) =	vpush v12, $0xF  }
0xdf: {  	_ =	sdelay $0x1  }
0xe0: {  	s18 =	sadd.s32 $0xFFFFFFF0, s18  }
0xe1: {  	v12 =	vld [tilespmem:s18+$0x0];
	_ =	sdelay $0x4  }
0xe2: {  	v12 =	vperm.xlane v12, v4;
	_ =	sdelay $0x1  }
0xe3: {  	(xrf0) =	vadd.scan.msk.s32 $0xffff, v12;
	_ =	sdelay $0x3  }
0xe4: {  	s28 =	spop (v2sf)  }
0xe5: {  	s18 =	sxor.u32 $0x80000000, s28  }
0xe6: {  	v12, _, _ =	vpop (xrf0);
	v13 =	vmov s18  }
0xe7: {  	v12 =	vadd.s32 v13, v12  }
0xe8: {  	vm0 =	vgt.s32 v12, $0x61;
	v12 =	vxor.u32 $0x80000000, v12  }
0xe9: {  	v59 =	vsel vm0, $0x3F800000, v6;
	(xrf0) =	vmax.scan.msk.u32 $0xffff, v12  }
0xea: {  	(xrf0) =	vmax.scan.msk.f32 $0xffff, v59;
	_ =	sdelay $0x4  }
0xeb: {  	(v2sf) =	vpush v11, $0xF;
	v60, _, _ =	vpop (xrf0)  }
0xec: {  	v61, _, _ =	vpop (xrf0);
	(v2sf) =	vpush v60, $0xF  }
0xed: {  	(v2sf) =	vpush v61, $0xF;
	_ =	sdelay $0xc  }
0xee: {  	s19 =	simm.s32 $0x1CB40;
	s29 =	spop (v2sf)  }
0xef: {  	v62 =	vmov s17;
	[tilespmem:s19+$0xFFFFFFC0] =	vst v7;
	s30 =	spop (v2sf)  }
0xf0: {  	[tilespmem:s19+$0x30] =	vst v7;
	v11 =	vsub.s32 $0x3FF, v62;
	p0 =	sgt.f32 s29, $0.0e+00;
	s31 =	spop (v2sf)  }
0xf1: {  	vm2 =	vmmov vm10;
	[tilespmem:s19+$0x20] =	vst v7;
	v11 =	vbroadcast v11, $0x0;
	v63 =	vmctz.xlane vm0;
	p1 =	sgt.f32 s31, $0.0e+00  }
0xf2: {  	[tilespmem:s19+$0x10] =	vst v7;
	vm0 =	vmmov vm10;
	v8 =	vpsel p0, $0x1, v8;
	vm2 =	vmneg @p0 vm2  }
0xf3: {  	[tilespmem:s19+$0x0] =	vst v7;
	vm1 =	vmand vm1, vm2;
	vm15 =	veq.s32 v8, $0x0;
	vm0 =	vmneg @p1 vm0  }
0xf4: {  	[tilespmem:s19+$0xFFFFFFF0] =	vst v7;
	v8 =	vsub.s32 v11, v63;
	v9 =	vsel vm1, v9, v10;
	vm0 =	vmand vm15, vm0  }
0xf5: {  	s20 =	simm.s32 $0x0;
	[tilespmem:s19+$0xFFFFFFE0] =	vst v7;
	v16 =	vsel vm0, v8, v9  }
.LBB2_11:
0xf6: {  	s20 =	sadd.s32 $0x8, s20;
	[tilespmem:s19+$0xFFFFFFD0] =	vst v7;
	s19 =	sadd.s32 $0x80, s19  }
0xf7: {  	[tilespmem:s19+$0xFFFFFFC0] =	vst v7;
	p0 =	slt.u32 s20, $0xF8  }
0xf8: {  	[tilespmem:s19+$0x30] =	vst v7  }
.Ltmp8:
0xf9: {  	[tilespmem:s19+$0x20] =	vst v7;
	(pc) =	sbr.rel @p0 .LBB2_11-.Ltmp8, $4  }
0xfa: {  	[tilespmem:s19+$0x10] =	vst v7  }
0xfb: {  	[tilespmem:s19+$0x0] =	vst v7  }
0xfc: {  	[tilespmem:s19+$0xFFFFFFF0] =	vst v7  }
0xfd: {  	s17 =	simm.s32 $0x0;
	s18 =	simm.s32 $0x50;
	[tilespmem:s19+$0xFFFFFFE0] =	vst v7  }
0xfe: {  	[tilespmem:s19+$0xFFFFFFD0] =	vst v7  }
0xff: {  	v15 =	vld [tilespmem:s18+$0x40]  }
0x100: {  	v18 =	vimm.s32 $0x0;
	v12 =	vld [tilespmem:s18+$0x20]  }
0x101: {  	vm0 =	vlt.s32 v18, $0xFF;
	v10 =	vld [tilespmem:s18+$0x10]  }
0x102: {  	v8 =	vld [tilespmem:s18+$0x0];
	v9 =	vnsel vm0, $0xFF, v18  }
0x103: {  	v14 =	vld [tilespmem:s18+$0xFFFFFFD0];
	v11 =	vshll.u32 v9, $0x4  }
0x104: {  	v19 =	vimm.f32 $0.0e+00;
	v13 =	vld [tilespmem:s18+$0xFFFFFFC0];
	v20 =	vor.u32 v0, v11;
	vm1 =	vlt.s32 v15, $0x0  }
0x105: {  	v21 =	vld [tilespmem:s18+$0xFFFFFFB0];
	v22 =	vxor.u32 $0xFFFFFFFF, v15;
	vm5 =	vlt.s32 v12, $0x0;
	v23 =	vxor.u32 $0x80000000, v15  }
0x106: {  	v24 =	vmul.f32 v15, v5;
	vm2 =	vlt.s32 v10, $0x0;
	v25 =	vxor.u32 $0xFFFFFFFF, v12  }
0x107: {  	v26 =	vxor.u32 $0x80000000, v12;
	vm3 =	vlt.s32 v8, $0x0;
	v27 =	vxor.u32 $0xFFFFFFFF, v10  }
0x108: {  	s31 =	sand.u32 $0x1FFE0, s17;
	v28 =	vxor.u32 $0x80000000, v10;
	v29 =	vxor.u32 $0xFFFFFFFF, v8;
	v30 =	vxor.u32 $0x80000000, v8  }
0x109: {  	v17 =	vld [tilespmem:s31+$0x80];
	v33 =	vmul.f32 v12, v5;
	vm7 =	vlt.s32 v14, $0x0;
	v36 =	vxor.u32 $0xFFFFFFFF, v14  }
0x10a: {  	v37 =	vxor.u32 $0x80000000, v14;
	v38 =	vmul.f32 v21, v5;
	vm8 =	vlt.s32 v13, $0x0  }
0x10b: {  	v39 =	vmul.f32 v10, v5;
	v40 =	vxor.u32 $0xFFFFFFFF, v13;
	v41 =	vxor.u32 $0x80000000, v13  }
0x10c: {  	v42 =	vmul.f32 v8, v5;
	vm0 =	vlt.s32 v21, $0x0;
	v43 =	vmul.f32 v13, v5  }
0x10d: {  	v9 =	vld [tilespmem:s18+$0xFFFFFFF0];
	v44 =	vxor.u32 $0xFFFFFFFF, v21;
	v45 =	vmul.f32 v14, v5;
	v47 =	vxor.u32 $0x80000000, v21  }
0x10e: {  	v11 =	vld [tilespmem:s18+$0xFFFFFFE0];
	v25 =	vsel vm5, v25, v26;
	v22 =	vsel vm1, v22, v23;
	vm1 =	vlt.s32 v17, $0x0  }
0x10f: {  	v26 =	vsel vm2, v27, v28;
	v27 =	vxor.u32 $0xFFFFFFFF, v17;
	v38 =	vmul.f32 $1.442695020e+00, v38  }
0x110: {  	v28 =	vxor.u32 $0x80000000, v17;
	v29 =	vsel vm3, v29, v30;
	v55 =	vsel vm7, v36, v37  }
0x111: {  	v57 =	vsel vm0, v44, v47;
	v43 =	vmul.f32 $1.442695020e+00, v43;
	(erf) = vpow2.f32 v38  }
0x112: {  	v58 =	vsel vm8, v40, v41;
	v46 =	vmul.f32 v9, v5;
	v23 =	vmul.f32 $1.442695020e+00, v45  }
0x113: {  	vm4 =	vlt.s32 v9, $0x0;
	v54 =	vmul.f32 v11, v5;
	(erf) = vpow2.f32 v43  }
0x114: {  	v31 =	vxor.u32 $0xFFFFFFFF, v9;
	v24 =	vmul.f32 $1.442695020e+00, v24;
	v59 =	vmul.f32 $1.442695020e+00, v42  }
0x115: {  	v32 =	vxor.u32 $0x80000000, v9;
	v38 =	vmul.f32 $1.442695020e+00, v54;
	(erf) = vpow2.f32 v23  }
0x116: {  	v22 =	vshrl.u32 v22, $0x16;
	v60 =	vshrl.u32 v26, $0x16;
	v25 =	vshrl.u32 v25, $0x16  }
0x117: {  	v26 =	vsel vm1, v27, v28;
	v56 =	vmul.f32 $1.442695020e+00, v46;
	(erf) = vpow2.f32 v38  }
0x118: {  	v29 =	vshrl.u32 v29, $0x16;
	v62 =	vshrl.u32 v58, $0x16;
	vm6 =	vlt.s32 v11, $0x0  }
0x119: {  	v34 =	vxor.u32 $0xFFFFFFFF, v11;
	v35 =	vxor.u32 $0x80000000, v11;
	(erf) = vpow2.f32 v56  }
0x11a: {  	v30 =	vsel vm4, v31, v32;
	v31 =	vmul.f32 v17, v5;
	v32 =	vshrl.u32 v55, $0x16;
	v27 =	vpop (erf)  }
0x11b: {  	(erf) = vpow2.f32 v59;
	v19 =	vadd.f32 v27, v19;
	v27 =	vmul.f32 $1.442695020e+00, v39  }
0x11c: {  	vm5 =	vge.s32 v25, v16;
	vm7 =	vge.s32 v22, v16;
	vm4 =	vge.s32 v29, v16;
	v61 =	vpop (erf)  }
0x11d: {  	vm2 =	vge.s32 v62, v16;
	v19 =	vadd.f32 v61, v19;
	(erf) = vpow2.f32 v27  }
0x11e: {  	vm8 =	vge.s32 v60, v16;
	v28 =	vshrl.u32 v30, $0x16;
	v30 =	vmul.f32 $1.442695020e+00, v33;
	v63 =	vpop (erf)  }
0x11f: {  	vm0 =	vge.s32 v32, v16;
	v31 =	vmul.f32 $1.442695020e+00, v31;
	v19 =	vadd.f32 v63, v19  }
0x120: {  	v23 =	vsel vm6, v34, v35;
	v27 =	vshrl.u32 v57, $0x16;
	v22 =	vpop (erf);
	(erf) = vpow2.f32 v30  }
0x121: {  	v23 =	vshrl.u32 v23, $0x16;
	vm11 =	vge.s32 v27, v16;
	v19 =	vadd.f32 v22, v19  }
0x122: {  	vm3 =	vge.s32 v23, v16;
	(erf) = vpow2.f32 v31;
	v23 =	vsel vm11, $0x1, v1;
	v22 =	vpop (erf)  }
0x123: {  	v19 =	vadd.f32 v22, v19;
	v22 =	vadd.s32 v23, v18;
	v18 =	vsel vm2, $0x1, v1  }
0x124: {  	(erf) = vpow2.f32 v24;
	v24 =	vpop (erf);
	v23 =	vadd.s32 v18, v22;
	v18 =	vimm.s32 $0x0  }
0x125: {  	v30 =	vshrl.u32 v26, $0x16;
	v18 =	vsel vm0, $0xFFFFFFFF, v18;
	v19 =	vadd.f32 v24, v19  }
0x126: {  	vm6 =	vge.s32 v28, v16;
	vm9 =	vge.s32 v30, v16;
	[tilespmem:$0x1FFF0] =	vst v18;
	v18 =	vsel vm0, $0x1, v1;
	v26 =	vpop (erf)  }
0x127: {  	v24 =	vadd.s32 v18, v23;
	v18 =	vsel vm3, $0x1, v1;
	v19 =	vadd.f32 v26, v19  }
0x128: {  	[tilespmem:v20+s13+$0x0] =	vst.idx.msk vm11, v21;
	vm11 =	vlt.s32 v23, $0xFF;
	v25 =	vadd.s32 v18, v24;
	v18 =	vsel vm6, $0x1, v1  }
0x129: {  	v28 =	vpop (erf);
	vm1 =	vlt.s32 v24, $0xFF;
	v26 =	vadd.s32 v18, v25;
	v18 =	vsel vm4, $0x1, v1  }
0x12a: {  	v19 =	vadd.f32 v28, v19;
	v27 =	vadd.s32 v18, v26;
	v18 =	vsel vm8, $0x1, v1  }
0x12b: {  	v30 =	vpop (erf);
	vm0 =	vlt.s32 v25, $0xFF;
	vm12 =	vlt.s32 v26, $0xFF;
	v28 =	vadd.s32 v18, v27  }
0x12c: {  	v18 =	vsel vm5, $0x1, v1;
	v19 =	vadd.f32 v30, v19;
	vm14 =	vlt.s32 v27, $0xFF  }
0x12d: {  	v29 =	vadd.s32 v18, v28;
	v18 =	vsel vm9, $0x1, v1;
	vm15 =	vlt.s32 v28, $0xFF  }
0x12e: {  	v31 =	vpop (erf);
	vm10 =	vlt.s32 v29, $0xFF;
	v30 =	vadd.s32 v18, v29;
	v18 =	vsel vm7, $0x1, v1  }
0x12f: {  	s19 =	simm.s32 $0x0;
	v19 =	vadd.f32 v31, v19;
	vm13 =	vlt.s32 v30, $0xFF;
	v18 =	vadd.s32 v18, v30  }
.LBB2_13:
0x130: {  	v21 =	vnsel vm14, $0xFF, v27;
	v27 =	vnsel vm15, $0xFF, v28;
	v28 =	vnsel vm10, $0xFF, v29  }
0x131: {  	v28 =	vshll.u32 v28, $0x4  }
0x132: {  	v28 =	vor.u32 v0, v28;
	_ =	sdelay $0x1  }
0x133: {  	v20 =	vimm.s32 $0x0  }
0x134: {  	v20 =	vsel vm3, $0xFFFFFFFF, v20  }
0x135: {  	[tilespmem:$0x1FFD0] =	vst v20  }
0x136: {  	[tilespmem:v28+s13+$0x0] =	vst.idx.msk vm9, v17;
	v17 =	vld [tilespmem:$0x1FFD0];
	_ =	sdelay $0x3  }
0x137: {  	v24 =	vnsel vm1, $0xFF, v24  }
0x138: {  	v25 =	vnsel vm0, $0xFF, v25;
	v24 =	vshll.u32 v24, $0x4;
	vm0 =	vnez.u8 v17  }
0x139: {  	v24 =	vor.u32 v0, v24;
	v17 =	vld [tilespmem:$0x1FFF0];
	_ =	sdelay $0x1  }
0x13a: {  	v26 =	vnsel vm12, $0xFF, v26  }
0x13b: {  	v23 =	vnsel vm11, $0xFF, v23;
	s18 =	sadd.s32 $0xA0, s18;
	vm3 =	vlt.s32 v22, $0xFF;
	v27 =	vshll.u32 v27, $0x4  }
0x13c: {  	v25 =	vshll.u32 v25, $0x4;
	v26 =	vshll.u32 v26, $0x4;
	v21 =	vshll.u32 v21, $0x4;
	v31 =	vld [tilespmem:s18+$0x20]  }
0x13d: {  	v23 =	vshll.u32 v23, $0x4;
	v36 =	vld [tilespmem:s18+$0xFFFFFFE0];
	v20 =	vimm.s32 $0x0;
	[tilespmem:v24+s13+$0x0] =	vst.idx.msk vm0, v11;
	vm0 =	vnez.u8 v17  }
0x13e: {  	v33 =	vld [tilespmem:s18+$0x10];
	v22 =	vnsel vm3, $0xFF, v22;
	v26 =	vor.u32 v0, v26;
	v23 =	vor.u32 v0, v23  }
0x13f: {  	v35 =	vld [tilespmem:s18+$0x0];
	v34 =	vor.u32 v0, v21;
	v27 =	vor.u32 v0, v27;
	v20 =	vsel vm2, $0xFFFFFFFF, v20  }
0x140: {  	v38 =	vld [tilespmem:s18+$0xFFFFFFD0];
	v25 =	vor.u32 v0, v25;
	vm2 =	vlt.s32 v18, $0xFF;
	[tilespmem:$0x1FFE0] =	vst v20;
	v20 =	vnsel vm13, $0xFF, v30  }
0x141: {  	v21 =	vld [tilespmem:s18+$0xFFFFFFB0];
	v22 =	vshll.u32 v22, $0x4;
	v29 =	vnsel vm2, $0xFF, v18;
	v20 =	vshll.u32 v20, $0x4  }
0x142: {  	v30 =	vld [tilespmem:s18+$0x40];
	v22 =	vor.u32 v0, v22;
	v29 =	vshll.u32 v29, $0x4;
	v32 =	vor.u32 v0, v20  }
0x143: {  	v20 =	vor.u32 v0, v29;
	vm11 =	vlt.s32 v31, $0x0;
	v48 =	vxor.u32 $0xFFFFFFFF, v31;
	[tilespmem:v23+s13+$0x0] =	vst.idx.msk vm0, v14;
	v14 =	vld [tilespmem:$0x1FFE0]  }
0x144: {  	v41 =	vxor.u32 $0x80000000, v31;
	v42 =	vxor.u32 $0x80000000, v33;
	v51 =	vxor.u32 $0x80000000, v36  }
0x145: {  	vm9 =	vlt.s32 v35, $0x0;
	v28 =	vxor.u32 $0xFFFFFFFF, v33;
	[tilespmem:v27+s13+$0x0] =	vst.idx.msk vm5, v12;
	v27 =	vxor.u32 $0xFFFFFFFF, v35  }
0x146: {  	v12 =	vmovc v31;
	v31 =	vxor.u32 $0x80000000, v35;
	[tilespmem:v26+s13+$0x0] =	vst.idx.msk vm4, v8;
	vm4 =	vlt.s32 v36, $0x0;
	v26 =	vxor.u32 $0xFFFFFFFF, v36  }
0x147: {  	v29 =	vld [tilespmem:s18+$0xFFFFFFF0];
	[tilespmem:v25+s13+$0x0] =	vst.idx.msk vm6, v9;
	vm6 =	vlt.s32 v38, $0x0;
	v25 =	vxor.u32 $0xFFFFFFFF, v38;
	vm1 =	vlt.s32 v21, $0x0  }
0x148: {  	[tilespmem:v34+s13+$0x0] =	vst.idx.msk vm8, v10;
	v8 =	vmovc v35;
	v47 =	vxor.u32 $0x80000000, v21;
	vm10 =	vlt.s32 v30, $0x0;
	vm0 =	vnez.u8 v14  }
0x149: {  	v37 =	vxor.u32 $0xFFFFFFFF, v30;
	v39 =	vxor.u32 $0x80000000, v30;
	v40 =	vmul.f32 v30, v5;
	[tilespmem:v32+s13+$0x0] =	vst.idx.msk vm7, v15;
	v15 =	vmovc v30;
	v30 =	vld [tilespmem:s18+$0xFFFFFFC0]  }
0x14a: {  	v10 =	vmovc v33;
	v43 =	vmul.f32 v12, v5;
	v45 =	vmul.f32 v8, v5;
	v27 =	vsel vm9, v27, v31  }
0x14b: {  	v52 =	vmul.f32 v10, v5;
	v26 =	vsel vm4, v26, v51;
	v27 =	vshrl.u32 v27, $0x16  }
0x14c: {  	v26 =	vshrl.u32 v26, $0x16;
	v55 =	vmul.f32 $1.442695020e+00, v45;
	v24 =	vmul.f32 v21, v5  }
0x14d: {  	v58 =	vmul.f32 $1.442695020e+00, v52;
	v59 =	vmul.f32 $1.442695020e+00, v43;
	vm5 =	vlt.s32 v29, $0x0  }
0x14e: {  	v49 =	vxor.u32 $0xFFFFFFFF, v29;
	v14 =	vmovc v38;
	[tilespmem:v22+s13+$0x0] =	vst.idx.msk vm0, v13;
	v22 =	vmul.f32 $1.442695020e+00, v24;
	v24 =	vmul.f32 v30, v5  }
0x14f: {  	v50 =	vxor.u32 $0x80000000, v29;
	v9 =	vmovc v29;
	v29 =	vxor.u32 $0x80000000, v38;
	v38 =	vmul.f32 v14, v5  }
0x150: {  	s17 =	sadd.s32 $0xA0, s17;
	v37 =	vsel vm10, v37, v39;
	v24 =	vmul.f32 $1.442695020e+00, v24;
	(erf) = vpow2.f32 v22  }
0x151: {  	s20 =	sand.u32 $0x1FFE0, s17;
	vm4 =	vge.s32 v27, v16;
	vm3 =	vge.s32 v26, v16;
	v11 =	vmovc v36;
	v38 =	vmul.f32 $1.442695020e+00, v38  }
0x152: {  	vm7 =	vlt.s32 v33, $0x0;
	v17 =	vld [tilespmem:s20+$0x80];
	v22 =	vmul.f32 v11, v5;
	(erf) = vpow2.f32 v24  }
0x153: {  	v32 =	vsel vm11, v48, v41;
	v46 =	vmul.f32 v9, v5;
	v31 =	vsel vm5, v49, v50  }
0x154: {  	v25 =	vsel vm6, v25, v29;
	v22 =	vmul.f32 $1.442695020e+00, v22;
	(erf) = vpow2.f32 v38  }
0x155: {  	v56 =	vshrl.u32 v37, $0x16;
	v31 =	vshrl.u32 v31, $0x16;
	v25 =	vshrl.u32 v25, $0x16  }
0x156: {  	v29 =	vmul.f32 $1.442695020e+00, v46;
	vm2 =	vlt.s32 v30, $0x0;
	(erf) = vpow2.f32 v22  }
0x157: {  	v44 =	vxor.u32 $0x80000000, v30;
	v54 =	vmul.f32 v17, v5;
	v23 =	vxor.u32 $0xFFFFFFFF, v30  }
0x158: {  	vm6 =	vge.s32 v31, v16;
	v23 =	vsel vm2, v23, v44;
	(erf) = vpow2.f32 v29  }
0x159: {  	v53 =	vxor.u32 $0x80000000, v17;
	v62 =	vmul.f32 $1.442695020e+00, v54;
	v23 =	vshrl.u32 v23, $0x16;
	v57 =	vpop (erf)  }
0x15a: {  	vm2 =	vge.s32 v23, v16;
	v13 =	vmovc v30;
	v30 =	vxor.u32 $0xFFFFFFFF, v21;
	v19 =	vadd.f32 v57, v19  }
0x15b: {  	vm0 =	vlt.s32 v17, $0x0;
	v24 =	vsel vm7, v28, v42;
	(erf) = vpow2.f32 v55;
	v60 =	vpop (erf)  }
0x15c: {  	v29 =	vshrl.u32 v24, $0x16;
	v24 =	vshrl.u32 v32, $0x16;
	v19 =	vadd.f32 v60, v19  }
0x15d: {  	v28 =	vxor.u32 $0xFFFFFFFF, v17;
	v22 =	vsel vm1, v30, v47;
	(erf) = vpow2.f32 v58;
	v61 =	vpop (erf)  }
0x15e: {  	vm7 =	vge.s32 v56, v16;
	v22 =	vshrl.u32 v22, $0x16;
	v19 =	vadd.f32 v61, v19  }
0x15f: {  	v28 =	vsel vm0, v28, v53;
	vm5 =	vge.s32 v24, v16;
	(erf) = vpow2.f32 v59;
	v24 =	vpop (erf)  }
0x160: {  	v30 =	vmul.f32 $1.442695020e+00, v40;
	vm0 =	vge.s32 v22, v16;
	v19 =	vadd.f32 v24, v19  }
0x161: {  	v63 =	vshrl.u32 v28, $0x16;
	v23 =	vsel vm0, $0x1, v1;
	(erf) = vpow2.f32 v62;
	v22 =	vpop (erf)  }
0x162: {  	v19 =	vadd.f32 v22, v19;
	v22 =	vadd.s32 v23, v18;
	v18 =	vsel vm2, $0x1, v1  }
0x163: {  	vm1 =	vge.s32 v25, v16;
	v23 =	vadd.s32 v18, v22;
	v18 =	vimm.s32 $0x0  }
0x164: {  	vm9 =	vge.s32 v63, v16;
	(erf) = vpow2.f32 v30;
	v24 =	vpop (erf);
	v18 =	vsel vm1, $0xFFFFFFFF, v18  }
0x165: {  	vm8 =	vge.s32 v29, v16;
	v19 =	vadd.f32 v24, v19;
	[tilespmem:$0x1FFF0] =	vst v18;
	v18 =	vsel vm1, $0x1, v1  }
0x166: {  	v26 =	vpop (erf);
	vm11 =	vlt.s32 v23, $0xFF;
	v24 =	vadd.s32 v18, v23;
	v18 =	vsel vm3, $0x1, v1  }
0x167: {  	v19 =	vadd.f32 v26, v19;
	v25 =	vadd.s32 v18, v24;
	v18 =	vsel vm6, $0x1, v1  }
0x168: {  	s19 =	sadd.s32 $0xA, s19;
	[tilespmem:v20+s13+$0x0] =	vst.idx.msk vm0, v21;
	v20 =	vpop (erf);
	vm1 =	vlt.s32 v24, $0xFF;
	v26 =	vadd.s32 v18, v25;
	v18 =	vsel vm4, $0x1, v1  }
0x169: {  	p0 =	slt.u32 s19, $0x1860;
	v19 =	vadd.f32 v20, v19;
	v27 =	vadd.s32 v18, v26;
	v18 =	vsel vm8, $0x1, v1  }
.Ltmp9:
0x16a: {  	v20 =	vpop (erf);
	vm0 =	vlt.s32 v25, $0xFF;
	vm12 =	vlt.s32 v26, $0xFF;
	v28 =	vadd.s32 v18, v27;
	(pc) =	sbr.rel @p0 .LBB2_13-.Ltmp9, $4  }
0x16b: {  	v18 =	vsel vm5, $0x1, v1;
	v19 =	vadd.f32 v20, v19;
	vm14 =	vlt.s32 v27, $0xFF  }
0x16c: {  	v29 =	vadd.s32 v18, v28;
	v18 =	vsel vm9, $0x1, v1;
	vm15 =	vlt.s32 v28, $0xFF  }
0x16d: {  	v20 =	vpop (erf);
	vm10 =	vlt.s32 v29, $0xFF;
	v30 =	vadd.s32 v18, v29;
	v18 =	vsel vm7, $0x1, v1  }
0x16e: {  	v19 =	vadd.f32 v20, v19;
	vm13 =	vlt.s32 v30, $0xFF;
	v18 =	vadd.s32 v18, v30  }
0x16f: {  	v16 =	vxor.u32 $0x80000000, v18  }
0x170: {  	(xrf0) =	vmax.scan.msk.u32 $0xffff, v16;
	_ =	sdelay $0x5  }
0x171: {  	v16, _, _ =	vpop (xrf0)  }
0x172: {  	(v2sf) =	vpush v16, $0xF;
	v16 =	vnsel vm13, $0xFF, v30  }
0x173: {  	v20 =	vnsel vm10, $0xFF, v29;
	v16 =	vshll.u32 v16, $0x4  }
0x174: {  	v59 =	vnsel vm15, $0xFF, v28;
	v20 =	vshll.u32 v20, $0x4;
	v16 =	vor.u32 v0, v16  }
0x175: {  	v58 =	vnsel vm14, $0xFF, v27;
	(xrf2) =	vadd.scan.msk.f32 $0xffff, v19;
	v19 =	vshll.u32 v59, $0x4;
	v20 =	vor.u32 v0, v20  }
0x176: {  	v61 =	vnsel vm12, $0xFF, v26;
	v18 =	vshll.u32 v58, $0x4;
	v19 =	vor.u32 v0, v19  }
0x177: {  	v60 =	vnsel vm0, $0xFF, v25;
	v25 =	vshll.u32 v61, $0x4;
	v18 =	vor.u32 v0, v18  }
0x178: {  	v21 =	vnsel vm1, $0xFF, v24;
	v24 =	vshll.u32 v60, $0x4;
	v25 =	vor.u32 v0, v25  }
0x179: {  	[tilespmem:v16+s13+$0x0] =	vst.idx.msk vm7, v15;
	v15 =	vshll.u32 v21, $0x4;
	v16 =	vor.u32 v0, v24  }
0x17a: {  	[tilespmem:v20+s13+$0x0] =	vst.idx.msk vm9, v17;
	v15 =	vor.u32 v0, v15  }
0x17b: {  	[tilespmem:v19+s13+$0x0] =	vst.idx.msk vm5, v12  }
0x17c: {  	[tilespmem:v18+s13+$0x0] =	vst.idx.msk vm8, v10  }
0x17d: {  	[tilespmem:v25+s13+$0x0] =	vst.idx.msk vm4, v8  }
0x17e: {  	[tilespmem:v16+s13+$0x0] =	vst.idx.msk vm6, v9  }
0x17f: {  	v62, _, _ =	vpop (xrf2);
	[tilespmem:v15+s13+$0x0] =	vst.idx.msk vm3, v11  }
0x180: {  	v26 =	vbroadcast v62, $0xF;
	v8 =	vld [tilespmem:$0x1FFF0];
	_ =	sdelay $0x1  }
0x181: {  	vm14 =	vlt.s32 v22, $0xFF;
	(erf) = vrcp.f32 v26;
	s20 =	spop (v2sf)  }
0x182: {  	v63 =	vnsel vm14, $0xFF, v22;
	s17 =	sxor.u32 $0x80000000, s20  }
0x183: {  	v23 =	vnsel vm11, $0xFF, v23;
	v12 =	vshll.u32 v63, $0x4;
	s18 =	sshrl.u32 s17, $0x1F  }
0x184: {  	v17 =	vshll.u32 v23, $0x4;
	v10 =	vor.u32 v0, v12;
	s18 =	sadd.s32 s18, s17;
	vm15 =	vnez.u8 v8  }
0x185: {  	v17 =	vor.u32 v0, v17;
	s18 =	sand.u32 $0xFFFFFFFE, s18  }
.Ltmp10:
0x186: {  	s19 =	ssub.s32 s17, s18;
	(pc) =	sbr.rel .LBB2_15-.Ltmp10, $4  }
0x187: {  	s20 =	sshll.u32 s20, $0x6;
	s21 =	sshll.u32 s19, $0x6  }
0x188: {  	vm10 =	vmxor vm10, vm10;
	v12 =	vimm.f32 $+Inf;
	s20 =	ssub.s32 s20, s21  }
0x189: {  	v9 =	vimm.s32 $0x0;
	v11 =	vimm.f32 $0.0e+00;
	v15 =	vimm.s32 $0x0;
	[tilespmem:v10+s13+$0x0] =	vst.idx.msk vm2, v13;
	p2 =	slt.s32 s17, $0x1;
	p0 =	slt.s32 s18, $0x1;
	s20 =	sshra.s32 s20, $0x2  }
0x18a: {  	v10 =	vimm.s32 $0x0;
	v13 =	vpop (erf);
	v8 =	vimm.f32 $-Inf;
	p1 =	sge.s32 s18, s17;
	s21 =	simm.s32 $0x0;
	s20 =	sadd.s32 $0x1CB00, s20;
	[tilespmem:v17+s13+$0x0] =	vst.idx.msk vm15, v14;
	v14 =	vimm.s32 $0x0  }
.LBB2_26:
0x18b: {  	vm0 =	veq.f32 v17, v16  }
0x18c: {  	v19 =	vsel vm0, $0x3F800000, v6  }
0x18d: {  	(xrf0) =	vmax.scan.msk.f32 $0xffff, v19;
	_ =	sdelay $0x5  }
0x18e: {  	v19, _, _ =	vpop (xrf0)  }
0x18f: {  	(v2sf) =	vpush v19, $0xF;
	_ =	sdelay $0xe  }
0x190: {  	v19 =	vmctz.xlane vm0;
	s23 =	spop (v2sf)  }
0x191: {  	p3 =	sgt.f32 s23, $0.0e+00  }
0x192: {  	vm15 =	veq.s32 v18, $0x0;
	vm2 =	vmmov vm10;
	vm1 =	veq.s32 v19, v0  }
0x193: {  	vm0 =	vmand vm15, vm1;
	vm2 =	vmneg @p3 vm2  }
0x194: {  	vm0 =	vmand vm0, vm2  }
0x195: {  	v17 =	vsel vm0, $0xFF800000, v17  }
0x196: {  	[tilespmem:s22+$0x0] =	vst v17  }
.LBB2_27:
0x197: {  	v17 =	vmul.f32 v16, v5;
	_ =	sdelay $0x1  }
0x198: {  	v17 =	vmul.f32 $1.442695020e+00, v17;
	_ =	sdelay $0x1  }
0x199: {  	(erf) = vpow2.f32 v17;
	_ =	sdelay $0x3  }
0x19a: {  	v17 =	vmov s21;
	_ =	sdelay $0x4  }
0x19b: {  	v19 =	vld.idx.msk [tilespmem:v17+s8+$0x0], $0xffff;
	v18 =	vpop (erf)  }
0x19c: {  	v18 =	vmul.f32 v18, v13;
	_ =	sdelay $0x1  }
0x19d: {  	v11 =	vadd.f32 v18, v11;
	_ =	sdelay $0x1  }
0x19e: {  	s21 =	sadd.s32 $0x1, s21;
	v18 =	vadd.f32 v19, v11  }
0x19f: {  	p3 =	sne.s32 s21, $0x62  }
.Ltmp11:
0x1a0: {  	vm0 =	vlt.f32 v16, v12;
	vm1 =	vle.f32 v18, $9.300000070e-01;
	(pc) =	sbr.rel @!p3 .LBB2_28-.Ltmp11, $4  }
0x1a1: {  	vm14 =	veq.s32 v15, $0x0;
	v12 =	vsel vm0, v16, v12;
	vm13 =	vmneg vm1  }
0x1a2: {  	v14 =	vsel vm0, v17, v14;
	v18 =	vsel vm1, $0x1, v1;
	v17 =	vsel vm13, $0x1, v1  }
0x1a3: {  	v10 =	vadd.s32 v18, v10;
	vm0 =	vmand vm13, vm14;
	vm15 =	vgt.s32 v15, v17  }
0x1a4: {  	v8 =	vsel vm0, v16, v8;
	v9 =	vsel vm0, v14, v9;
	v15 =	vsel vm15, v15, v17  }
.LBB2_15:
.Ltmp12:
0x1a5: {  	(pc) =	sbr.rel @p0 .LBB2_21-.Ltmp12, $2  }
0x1a6: {  	_ =	sdelay $0x2  }
0x1a7: {  	v16 =	vimm.f32 $-Inf  }
0x1a8: {  	p4 =	sgt.s32 s18, $0x2  }
.Ltmp13:
0x1a9: {  	_ = 	snop;
	(pc) =	sbr.rel @!p4 .LBB2_17-.Ltmp13, $2  }
0x1aa: {  	_ =	sdelay $0x2  }
0x1ab: {  	v16 =	vimm.f32 $-Inf;
	s22 =	simm.s32 $0x1CB10;
	p3 =	por $0x0, $0x0  }
0x1ac: {  	v18 =	vld [tilespmem:s22+$0xFFFFFFF0];
	p4 =	sgt.s32 s18, $0x4  }
.Ltmp14:
0x1ad: {  	_ = 	snop;
	(pc) =	sbr.rel @!p4 .LBB2_20-.Ltmp14, $2  }
0x1ae: {  	v17 =	vld [tilespmem:s22+$0x0];
	_ =	sdelay $0x2  }
0x1af: {  	s23 =	simm.s32 $0x4;
	s22 =	simm.s32 $0x1CB30;
	p3 =	por $0x1, $0x1;
	v18 =	vmax.f32 v16, v18  }
.LBB2_19:
0x1b0: {  	s23 =	sadd.s32 $0x2, s23  }
0x1b1: {  	v19 =	vld [tilespmem:s22+$0xFFFFFFF0];
	v18 =	vmax.f32 v18, v17;
	p4 =	slt.s32 s23, s18  }
.Ltmp15:
0x1b2: {  	v17 =	vld [tilespmem:s22+$0x0];
	(pc) =	sbr.rel @p4 .LBB2_19-.Ltmp15, $2  }
0x1b3: {  	_ =	sdelay $0x2  }
0x1b4: {  	s22 =	sadd.s32 $0x20, s22;
	v18 =	vmax.f32 v18, v19  }
.LBB2_20:
0x1b5: {  	v19 =	vld [tilespmem:s22+$0xFFFFFFF0]  }
0x1b6: {  	v20 =	vld [tilespmem:s22+$0x0];
	_ =	sdelay $0x1  }
0x1b7: {  	v17 =	vmax.f32 @p3 v18, v17  }
0x1b8: {  	v16 =	vpsel p3, v17, v16  }
0x1b9: {  	v16 =	vmax.f32 v16, v19  }
0x1ba: {  	v16 =	vmax.f32 v16, v20  }
.LBB2_21:
.Ltmp16:
0x1bb: {  	(pc) =	sbr.rel @p1 .LBB2_23-.Ltmp16, $2  }
0x1bc: {  	_ =	sdelay $0x2  }
0x1bd: {  	s22 =	smov.u32 s20;
	s23 =	smov.u32 s19  }
.LBB2_22:
0x1be: {  	v17 =	vld [tilespmem:s22+$0x0];
	p3 =	sne.s32 s23, $0x1  }
.Ltmp17:
0x1bf: {  	_ = 	snop;
	(pc) =	sbr.rel @p3 .LBB2_22-.Ltmp17, $2  }
0x1c0: {  	_ =	sdelay $0x2  }
0x1c1: {  	s22 =	sadd.s32 $0x10, s22;
	s23 =	sadd.s32 $0xFFFFFFFF, s23;
	v16 =	vmax.f32 v16, v17  }
.LBB2_23:
0x1c2: {  	(xrf0) =	vmax.scan.msk.f32 $0xffff, v16;
	_ =	sdelay $0x3  }
.Ltmp18:
0x1c3: {  	_ = 	snop;
	(pc) =	sbr.rel @p2 .LBB2_27-.Ltmp18, $3  }
0x1c4: {  	_ = 	snop  }
0x1c5: {  	v16, _, _ =	vpop (xrf0)  }
0x1c6: {  	v16 =	vbroadcast v16, $0xF;
	_ =	sdelay $0x1  }
0x1c7: {  	s22 =	simm.s32 $0x1CB00;
	p3 =	sne.s32 s17, $0x1  }
.Ltmp19:
0x1c8: {  	v17 =	vld [tilespmem:s22+$0x0];
	(pc) =	sbr.rel @!p3 .LBB2_26-.Ltmp19, $2  }
0x1c9: {  	_ =	sdelay $0x2  }
0x1ca: {  	v18 =	vimm.s32 $0x0;
	s23 =	sadd.s32 $0xFFFFFFFF, s17  }
.LBB2_25:
0x1cb: {  	p3 =	sne.s32 s23, $0x1;
	_ =	sdelay $0x3  }
0x1cc: {  	vm0 =	veq.f32 v17, v16  }
0x1cd: {  	v19 =	vsel vm0, $0x3F800000, v6  }
0x1ce: {  	(xrf0) =	vmax.scan.msk.f32 $0xffff, v19;
	_ =	sdelay $0x5  }
0x1cf: {  	v19, _, _ =	vpop (xrf0)  }
0x1d0: {  	(v2sf) =	vpush v19, $0xF;
	_ =	sdelay $0xe  }
0x1d1: {  	v19 =	vmctz.xlane vm0;
	s24 =	spop (v2sf)  }
0x1d2: {  	p4 =	sgt.f32 s24, $0.0e+00  }
0x1d3: {  	vm2 =	vmmov vm10;
	vm0 =	veq.s32 v18, $0x0;
	vm1 =	veq.s32 v19, v0  }
.Ltmp20:
0x1d4: {  	vm0 =	vmand vm0, vm1;
	vm2 =	vmneg @p4 vm2;
	v18 =	vpsel p4, $0x1, v18;
	(pc) =	sbr.rel @p3 .LBB2_25-.Ltmp20, $4  }
0x1d5: {  	vm0 =	vmand vm0, vm2  }
0x1d6: {  	v17 =	vsel vm0, $0xFF800000, v17  }
0x1d7: {  	[tilespmem:s22+$0x0] =	vst v17;
	s22 =	sadd.s32 $0x10, s22  }
0x1d8: {  	s23 =	sadd.s32 $0xFFFFFFFF, s23;
	v17 =	vld [tilespmem:s22+$0x0]  }
.Ltmp21:
0x1d9: {  	_ = 	snop;
	(pc) =	sbr.rel .LBB2_26-.Ltmp21, $1  }
0x1da: {  	_ =	sdelay $0x3  }
.LBB2_17:
.Ltmp22:
0x1db: {  	(pc) =	sbr.rel .LBB2_20-.Ltmp22, $2  }
0x1dc: {  	_ =	sdelay $0x2  }
0x1dd: {  	_ = 	snop  }
.LBB2_28:
0x1de: {  	s17 =	simm.s32 $0x50  }
0x1df: {  	v13 =	vld [tilespmem:s17+$0xFFFFFFB0]  }
0x1e0: {  	v19 =	vld [tilespmem:s17+$0xFFFFFFC0]  }
0x1e1: {  	v11 =	vld [tilespmem:s17+$0xFFFFFFE0]  }
0x1e2: {  	v12 =	vld [tilespmem:s17+$0xFFFFFFF0]  }
0x1e3: {  	s18 =	simm.s32 $0x0;
	v14 =	vld [tilespmem:s17+$0x10]  }
0x1e4: {  	v28 =	vld [tilespmem:s17+$0xFFFFFFD0];
	s19 =	sand.u32 $0x1FFE0, s18  }
0x1e5: {  	v29 =	vld [tilespmem:s19+$0x80]  }
0x1e6: {  	v16 =	vimm.s32 $0x0;
	vm1 =	vgt.f32 v13, v8;
	vm0 =	veq.f32 v13, v8  }
0x1e7: {  	vm2 =	veq.f32 v19, v8;
	vm3 =	veq.f32 v11, v8;
	vm4 =	veq.f32 v12, v8  }
0x1e8: {  	vm6 =	veq.f32 v14, v8;
	v15 =	vsel vm0, $0x40000000, v6;
	v17 =	vsel vm0, $0x1, v1  }
0x1e9: {  	v13 =	vld [tilespmem:s17+$0x0];
	v18 =	vsel vm2, $0x1, v1;
	vm0 =	veq.f32 v28, v8;
	v20 =	vsel vm3, $0x1, v1  }
0x1ea: {  	vm8 =	veq.f32 v29, v8;
	v27 =	vsel vm2, $0x40000000, v6;
	v26 =	vsel vm3, $0x40000000, v6  }
0x1eb: {  	v23 =	vsel vm4, $0x40000000, v6;
	vm3 =	vgt.f32 v29, v8;
	v17 =	vadd.s32 v17, v16;
	v16 =	vld [tilespmem:s17+$0x20]  }
0x1ec: {  	vm2 =	vgt.f32 v28, v8;
	v17 =	vadd.s32 v18, v17;
	v18 =	vsel vm0, $0x1, v1  }
0x1ed: {  	v24 =	vsel vm8, $0x40000000, v6;
	v25 =	vsel vm0, $0x40000000, v6;
	v18 =	vadd.s32 v18, v17;
	v17 =	vld [tilespmem:s17+$0x40]  }
0x1ee: {  	v18 =	vadd.s32 v20, v18;
	v20 =	vsel vm4, $0x1, v1;
	vm5 =	veq.f32 v13, v8  }
0x1ef: {  	vm4 =	vgt.f32 v19, v8;
	v18 =	vadd.s32 v20, v18;
	v20 =	vsel vm5, $0x1, v1  }
0x1f0: {  	v18 =	vadd.s32 v20, v18;
	v20 =	vsel vm6, $0x1, v1;
	vm7 =	veq.f32 v16, v8  }
0x1f1: {  	v22 =	vsel vm5, $0x40000000, v6;
	v18 =	vadd.s32 v20, v18;
	v20 =	vsel vm7, $0x1, v1  }
0x1f2: {  	v18 =	vadd.s32 v20, v18;
	v20 =	vsel vm8, $0x1, v1;
	vm9 =	veq.f32 v17, v8  }
0x1f3: {  	v18 =	vadd.s32 v20, v18;
	v20 =	vsel vm9, $0x1, v1;
	v19 =	vsel vm9, $0x40000000, v6  }
0x1f4: {  	s20 =	simm.s32 $0x0;
	s21 =	simm.s32 $0xF0;
	v21 =	vadd.s32 v20, v18;
	v20 =	vsel vm6, $0x40000000, v6;
	v18 =	vsel vm7, $0x40000000, v6  }
.LBB2_29:
0x1f5: {  	v28 =	vld [tilespmem:s21+$0xFFFFFFB0];
	s20 =	sadd.s32 $0xA, s20;
	vm0 =	vgt.f32 v11, v8;
	vm5 =	vgt.f32 v12, v8;
	vm6 =	vgt.f32 v13, v8  }
0x1f6: {  	vm7 =	vgt.f32 v14, v8;
	vm8 =	vgt.f32 v16, v8;
	vm9 =	vgt.f32 v17, v8;
	v29 =	vld [tilespmem:s21+$0xFFFFFFC0];
	p0 =	slt.u32 s20, $0x1860  }
0x1f7: {  	v13 =	vsel vm1, $0x3F800000, v15;
	v14 =	vsel vm4, $0x3F800000, v27;
	v12 =	vsel vm3, $0x3F800000, v24;
	v30 =	vld [tilespmem:s21+$0xFFFFFFD0]  }
0x1f8: {  	v16 =	vsel vm2, $0x3F800000, v25;
	v17 =	vsel vm0, $0x3F800000, v26;
	v23 =	vsel vm5, $0x3F800000, v23;
	v11 =	vld [tilespmem:s21+$0xFFFFFFE0];
	[tilespmem:s19+$0x80] =	vst v12  }
0x1f9: {  	v22 =	vsel vm6, $0x3F800000, v22;
	v20 =	vsel vm7, $0x3F800000, v20;
	v18 =	vsel vm8, $0x3F800000, v18;
	v12 =	vld [tilespmem:s21+$0xFFFFFFF0];
	[tilespmem:s17+$0xFFFFFFB0] =	vst v13  }
0x1fa: {  	v19 =	vsel vm9, $0x3F800000, v19;
	vm1 =	vgt.f32 v28, v8;
	vm0 =	veq.f32 v28, v8;
	v13 =	vld [tilespmem:s21+$0x0];
	[tilespmem:s17+$0xFFFFFFC0] =	vst v14  }
0x1fb: {  	s18 =	sadd.s32 $0xA0, s18;
	v15 =	vsel vm0, $0x40000000, v6;
	v24 =	vsel vm0, $0x1, v1;
	vm2 =	veq.f32 v29, v8;
	v14 =	vld [tilespmem:s21+$0x10];
	[tilespmem:s17+$0xFFFFFFD0] =	vst v16  }
0x1fc: {  	s19 =	sand.u32 $0x1FFE0, s18;
	v21 =	vadd.s32 v24, v21;
	v24 =	vsel vm2, $0x1, v1;
	vm3 =	veq.f32 v30, v8;
	v16 =	vld [tilespmem:s21+$0x20];
	[tilespmem:s17+$0xFFFFFFE0] =	vst v17  }
0x1fd: {  	v17 =	vadd.s32 v24, v21;
	v21 =	vsel vm3, $0x1, v1;
	vm4 =	veq.f32 v11, v8;
	v28 =	vld [tilespmem:s19+$0x80];
	[tilespmem:s17+$0xFFFFFFF0] =	vst v23  }
0x1fe: {  	v21 =	vadd.s32 v21, v17;
	v23 =	vsel vm4, $0x1, v1;
	vm5 =	veq.f32 v12, v8;
	v17 =	vld [tilespmem:s21+$0x40];
	[tilespmem:s17+$0x0] =	vst v22  }
0x1ff: {  	v21 =	vadd.s32 v23, v21;
	v22 =	vsel vm5, $0x1, v1;
	vm0 =	veq.f32 v13, v8;
	[tilespmem:s17+$0x10] =	vst v20  }
0x200: {  	v20 =	vadd.s32 v22, v21;
	v21 =	vsel vm0, $0x1, v1;
	vm6 =	veq.f32 v14, v8;
	[tilespmem:s17+$0x20] =	vst v18  }
0x201: {  	v18 =	vadd.s32 v21, v20;
	v20 =	vsel vm6, $0x1, v1;
	vm7 =	veq.f32 v16, v8;
	[tilespmem:s17+$0x40] =	vst v19;
	s17 =	smov.u32 s21  }
0x202: {  	v18 =	vadd.s32 v20, v18;
	v19 =	vsel vm7, $0x1, v1;
	vm8 =	veq.f32 v28, v8  }
0x203: {  	v18 =	vadd.s32 v19, v18;
	v19 =	vsel vm8, $0x1, v1;
	vm9 =	veq.f32 v17, v8  }
.Ltmp23:
0x204: {  	v24 =	vsel vm8, $0x40000000, v6;
	v18 =	vadd.s32 v19, v18;
	v19 =	vsel vm9, $0x1, v1;
	(pc) =	sbr.rel @p0 .LBB2_29-.Ltmp23, $4  }
0x205: {  	v27 =	vsel vm2, $0x40000000, v6;
	v25 =	vsel vm3, $0x40000000, v6;
	v21 =	vadd.s32 v19, v18  }
0x206: {  	v26 =	vsel vm4, $0x40000000, v6;
	v23 =	vsel vm5, $0x40000000, v6;
	v22 =	vsel vm0, $0x40000000, v6  }
0x207: {  	v20 =	vsel vm6, $0x40000000, v6;
	vm3 =	vgt.f32 v28, v8;
	v18 =	vsel vm7, $0x40000000, v6  }
0x208: {  	vm2 =	vgt.f32 v30, v8;
	vm4 =	vgt.f32 v29, v8;
	s21 =	sadd.s32 $0xA0, s21;
	v19 =	vsel vm9, $0x40000000, v6  }
0x209: {  	v9 =	vsub.s32 v10, v9  }
0x20a: {  	v9 =	vadd.s32 $0x1, v9  }
0x20b: {  	(xrf0) =	vadd.scan.msk.s32 $0xffff, v21;
	v10 =	vxor.u32 $0x80000000, v9  }
0x20c: {  	(xrf0) =	vmax.scan.msk.u32 $0xffff, v10;
	_ =	sdelay $0x4  }
0x20d: {  	v10, _, _ =	vpop (xrf0)  }
0x20e: {  	(v2sf) =	vpush v10, $0xF;
	v10, _, _ =	vpop (xrf0)  }
0x20f: {  	(v2sf) =	vpush v10, $0xF;
	_ =	sdelay $0xb  }
0x210: {  	v15 =	vsel vm1, $0x3F800000, v15  }
0x211: {  	vm0 =	vgt.f32 v11, v8;
	v11 =	vsel vm2, $0x3F800000, v25;
	vm7 =	vgt.f32 v12, v8;
	[tilespmem:s17+$0xFFFFFFB0] =	vst v15  }
0x212: {  	[tilespmem:s17+$0xFFFFFFD0] =	vst v11;
	v11 =	vsel vm7, $0x3F800000, v23;
	s18 =	spop (v2sf)  }
0x213: {  	vm12 =	vgt.f32 v13, v8;
	vm14 =	vgt.f32 v16, v8;
	[tilespmem:s17+$0xFFFFFFF0] =	vst v11;
	v10 =	vsel vm3, $0x3F800000, v24;
	s31 =	spop (v2sf)  }
0x214: {  	vm13 =	vgt.f32 v14, v8;
	vm15 =	vgt.f32 v17, v8;
	v8 =	vsel vm14, $0x3F800000, v18;
	[tilespmem:s19+$0x80] =	vst v10;
	s19 =	sxor.u32 $0x80000000, s31  }
0x215: {  	v11 =	vsel vm13, $0x3F800000, v20;
	[tilespmem:s17+$0x20] =	vst v8;
	p0 =	sle.s32 s18, s19  }
.Ltmp24:
0x216: {  	[tilespmem:s17+$0x10] =	vst v11;
	v10 =	vsel vm4, $0x3F800000, v27;
	(pc) =	sbr.rel @p0 .LBB2_34-.Ltmp24, $4  }
0x217: {  	[tilespmem:s17+$0xFFFFFFC0] =	vst v10;
	v10 =	vsel vm0, $0x3F800000, v26  }
0x218: {  	[tilespmem:s17+$0xFFFFFFE0] =	vst v10;
	v10 =	vsel vm12, $0x3F800000, v22  }
0x219: {  	[tilespmem:s17+$0x0] =	vst v10;
	v10 =	vsel vm15, $0x3F800000, v19  }
0x21a: {  	[tilespmem:s17+$0x40] =	vst v10  }
0x21b: {  	s19 =	simm.s32 $0x0  }
0x21c: {  	v10 =	vld [tilespmem:s19+$0x0];
	_ =	sdelay $0x4  }
0x21d: {  	vm0 =	veq.f32 v10, $2.000000000e+00  }
0x21e: {  	v8 =	vsel vm0, $0x1, v1  }
0x21f: {  	(xrf0) =	vadd.scan.msk.s32 $0xffff, v8;
	_ =	sdelay $0x5  }
0x220: {  	v11, _, _ =	vpop (xrf0)  }
0x221: {  	v8 =	vxor.u32 $0x80000000, v11  }
0x222: {  	v12 =	vsel vm0, $0xFFFFFFFF, v1;
	(xrf0) =	vmax.scan.msk.u32 $0xffff, v8;
	v8 =	vimm.s32 $0x0  }
0x223: {  	v12 =	vadd.s32 v12, v8  }
0x224: {  	v11 =	vadd.s32 v11, v12  }
0x225: {  	vm1 =	vlt.s32 v11, v9  }
0x226: {  	v11 =	vsel vm1, $0x3F800000, v6;
	_ =	sdelay $0x2  }
0x227: {  	v10 =	vsel vm0, v11, v10;
	v11, _, _ =	vpop (xrf0)  }
0x228: {  	s17 =	simm.s32 $0x10;
	s18 =	simm.s32 $0x80;
	[tilespmem:s19+$0x0] =	vst v10;
	(v2sf) =	vpush v11, $0xF  }
.LBB2_32:
0x229: {  	p0 =	sne.s32 s18, $0x61A40;
	v10 =	vld [tilespmem:s17+$0x0];
	_ =	sdelay $0x4  }
0x22a: {  	vm0 =	veq.f32 v10, $2.000000000e+00  }
0x22b: {  	v11 =	vsel vm0, $0xFFFFFFFF, v1;
	v12 =	vsel vm0, $0x1, v1  }
0x22c: {  	(xrf0) =	vadd.scan.msk.s32 $0xffff, v12;
	_ =	sdelay $0x5  }
0x22d: {  	v12, _, _ =	vpop (xrf0)  }
0x22e: {  	v13 =	vxor.u32 $0x80000000, v12;
	s19 =	spop (v2sf)  }
0x22f: {  	(xrf0) =	vmax.scan.msk.u32 $0xffff, v13;
	s19 =	sxor.u32 $0x80000000, s19  }
0x230: {  	v8 =	vadd.s32 s19, v8  }
0x231: {  	v11 =	vadd.s32 v11, v8  }
.Ltmp25:
0x232: {  	v11 =	vadd.s32 v12, v11;
	(pc) =	sbr.rel @p0 .LBB2_32-.Ltmp25, $4  }
0x233: {  	vm1 =	vlt.s32 v11, v9  }
0x234: {  	v12 =	vsel vm1, $0x3F800000, v6  }
0x235: {  	v10 =	vsel vm0, v12, v10;
	v11, _, _ =	vpop (xrf0)  }
0x236: {  	[tilespmem:s17+$0x0] =	vst v10;
	s17 =	sshra.s32 s18, $0x2;
	s18 =	sadd.s32 $0x40, s18;
	(v2sf) =	vpush v11, $0xF  }
0x237: {  	v10 =	vld [tilespmem:s17+$0x0];
	_ =	sdelay $0x4  }
0x238: {  	vm0 =	veq.f32 v10, $2.000000000e+00  }
0x239: {  	v11 =	vsel vm0, $0x1, v1  }
0x23a: {  	(xrf0) =	vadd.scan.msk.s32 $0xffff, v11;
	_ =	sdelay $0x5  }
0x23b: {  	v11, _, _ =	vpop (xrf0)  }
0x23c: {  	v12 =	vxor.u32 $0x80000000, v11  }
0x23d: {  	(xrf0) =	vmax.scan.msk.u32 $0xffff, v12;
	_ =	sdelay $0x5  }
0x23e: {  	v12, _, _ =	vpop (xrf0)  }
0x23f: {  	(v2sf) =	vpush v12, $0xF;
	_ =	sdelay $0x6  }
0x240: {  	s18 =	spop (v2sf)  }
0x241: {  	s18 =	sxor.u32 $0x80000000, s18  }
0x242: {  	v63 =	vsel vm0, $0xFFFFFFFF, v1;
	v8 =	vadd.s32 s18, v8  }
0x243: {  	v8 =	vadd.s32 v63, v8  }
.Ltmp26:
0x244: {  	v8 =	vadd.s32 v11, v8;
	(pc) =	sbr.rel .LBB2_34-.Ltmp26, $4  }
0x245: {  	vm1 =	vlt.s32 v8, v9  }
0x246: {  	v8 =	vsel vm1, $0x3F800000, v6  }
0x247: {  	v8 =	vsel vm0, v8, v10  }
0x248: {  	[tilespmem:s17+$0x0] =	vst v8;
	s31 =	spop (v2sf)  }
.LBB2_36:
0x249: {  	_ =	sfence.sel $0x180000  }
0x24a: {  	[bflag:$0x0] =	sbarrier.arrive $0xFFFF  }
0x24b: {  	p0 =	sne.s32 s4, $0x0;
	_ =	strace $0x90000047  }
0x24c: {  	s0 =	sadd.s32 @!p0 $0x100000, s0;
	[bflag:$0x2] =	sbarrier.arrive $0xFFFF  }
0x24d: {  	[sflag:s0] =	ssyncadd.tile.s32 @!p0 $0x1;
	_ =	shalt  }
.Lfunc_end2:
_tile_overlayer_lowered:
.L_overlay_start_2:
0x24e: {  	(tag) =	ssettag $0x2  }
0x24f: {  	s0 =	rddreg [dreg:$0x0];
	s2 =	stileid.u32  }
0x250: {  	s1 =	rddreg [dreg:$0x1];
	p0 =	sne.s32 s2, $0x0  }
0x251: {  	s3 =	rddreg [dreg:$0x2];
	[bflag:$0x3] =	sbarrier.arrive $0xFFFF;
	s2 =	simm.s32 @!p0 $0x1C01  }
0x252: {  	[timem:s3], [sflag:s2] =	dma.local @!p0 [hbm:s0], s1  }
0x253: {  	s0 =	simm.s32 @!p0 $0x1  }
0x254: {  	_ =	swait.ge @!p0 [sflag:s0], s1  }
0x255: {  	s1 =	ssub.s32 @!p0 $0x0, s1;
	[sflag:s0] =	ssyncset.done @!p0 $0x0  }
0x256: {  	[sflag:s0] =	ssyncadd.s32 @!p0 s1  }
0x257: {  	[bflag:$0x3] =	sbarrier.arrive $0xFFFF  }
0x258: {  	_ =	shalt  }

</sc_bundles>
